<compile_context>
chip_gen: v7x
topology: tpu7x:2x2x1
jax: 0.10.2.dev20260603
libtpu: 0.0.44.dev20260713+nightly
codegen_flags: <defaults>
</compile_context>

<pallas_src>
import functools

import jax
import jax.numpy as jnp
from jax import lax
from jax.experimental import pallas as pl
from jax.experimental.pallas import tpu as pltpu
from jax.experimental.pallas import tpu_sc as plsc

_NC = 2
_NS = 16
_NW = _NC * _NS
_NB = 4
_W = 16


def _table_body(res_ref, atom_ref, crgt_ref, wf_ref, bf_ref, out_ref):
    t_res = jnp.dot(res_ref[...], wf_ref[0:64, :], preferred_element_type=jnp.float32)
    t_atom = jnp.dot(atom_ref[...], wf_ref[64:128, :], preferred_element_type=jnp.float32)
    t_crg = jnp.dot(crgt_ref[...], wf_ref[128:144, :], preferred_element_type=jnp.float32)
    row8 = jax.lax.broadcasted_iota(jnp.int32, (896, 21), 0)
    col8 = jax.lax.broadcasted_iota(jnp.int32, (896, 21), 1)
    e_res8 = (col8 == jnp.minimum(row8 // 42, 20)).astype(jnp.float32)
    e_crg8 = (col8[:, :3] == (row8[:, :3] // 14) % 3).astype(jnp.float32)
    e_atom8 = (col8[:, :14] == row8[:, :14] % 14).astype(jnp.float32)
    out_ref[...] = (jnp.dot(e_res8, t_res, preferred_element_type=jnp.float32)
                    + jnp.dot(e_crg8, t_crg, preferred_element_type=jnp.float32)
                    + jnp.dot(e_atom8, t_atom, preferred_element_type=jnp.float32)
                    + bf_ref[...][None, :])


def _build_t3(res_table, atom_table, crg_table, Wf, bf):
    full = lambda shape: pl.BlockSpec(shape, lambda: (0,) * len(shape))
    return pl.pallas_call(
        _table_body,
        in_specs=[full((21, 64)), full((14, 64)), full((3, 16)),
                  full((144, 128)), full((128,))],
        out_specs=full((896, 128)),
        out_shape=jax.ShapeDtypeStruct((896, 128), jnp.float32),
    )(res_table, atom_table, crg_table, Wf, bf)


def _sc_gather(t3, aa_flat, crg_flat, nl):
    b_per_w = nl // _NW
    n_chunks = b_per_w // _W
    mesh = plsc.VectorSubcoreMesh(core_axis_name="c", subcore_axis_name="s")

    @functools.partial(
        pl.kernel, mesh=mesh,
        out_type=jax.ShapeDtypeStruct((nl * 14, 128), jnp.float32),
        scratch_types=(
            [pltpu.HBM((63, 14, 128), jnp.float32),
             pltpu.VMEM((112, 128), jnp.float32),
             pltpu.VMEM((b_per_w,), jnp.int32),
             pltpu.VMEM((b_per_w,), jnp.int32)]
            + [pltpu.VMEM((_W * 14, 128), jnp.float32) for _ in range(_NB)]
            + [pltpu.SemaphoreType.DMA for _ in range(2 * _NB)]
        ),
    )
    def sc_kernel(t3_hbm, aa_hbm, crg_hbm, out_hbm, t3s, stage_v, aa_v, idx_v, *bufsem):
        bufs = bufsem[:_NB]
        gsem = bufsem[_NB:2 * _NB]
        wsem = bufsem[2 * _NB:]
        wid = lax.axis_index("s") * _NC + lax.axis_index("c")
        base = wid * b_per_w

        @pl.when(lax.axis_index("s") == 0)
        def _():
            @pl.loop(0, 8)
            def _(j):
                pltpu.sync_copy(t3_hbm.at[pl.ds(j * 112, 112)], stage_v)
                pltpu.sync_copy(stage_v.reshape(8, 14, 128),
                                t3s.at[pl.ds(j * 8, 8)])

        plsc.subcore_barrier()
        pltpu.sync_copy(aa_hbm.at[pl.ds(base, b_per_w)], aa_v)
        pltpu.sync_copy(crg_hbm.at[pl.ds(base, b_per_w)], idx_v)

        @pl.loop(0, b_per_w // 16)
        def _(i):
            s = pl.ds(i * 16, 16)
            idx_v[s] = aa_v[s] * 3 + idx_v[s]

        def gather(c, b):
            return pltpu.make_async_copy(
                t3s.at[idx_v.at[pl.ds(c * _W, _W)]],
                bufs[b].reshape(_W, 14, 128), gsem[b])

        def wback(c, b):
            return pltpu.make_async_copy(
                bufs[b],
                out_hbm.at[pl.ds((base + c * _W) * 14, _W * 14)],
                wsem[b])

        for k in range(_NB):
            gather(k, k).start()

        @pl.loop(0, n_chunks, step=_NB)
        def _(c):
            for b in range(_NB):
                cc = c + b
                gather(cc, b).wait()
                wback(cc, b).start()

                @pl.when(cc + _NB < n_chunks)
                def _(cc=cc, b=b):
                    wback(cc, b).wait()
                    gather(cc + _NB, b).start()

        for b in range(_NB):
            cc = n_chunks - _NB + b
            wback(cc, b).wait()

    return sc_kernel(t3, aa_flat, crg_flat)


def kernel(aa, pos14, atom_mask, phys, crg, res_table, atom_table, crg_table, Wp, bp, Wf, bf):
    N, L = aa.shape
    NL = N * L
    t3 = _build_t3(res_table, atom_table, crg_table, Wf, bf)
    out = _sc_gather(t3, aa.reshape(NL), crg.reshape(NL), NL)
    feats = out.reshape(N, L * 14, 128)
    coors = pos14.reshape(N, L * 14, 3)
    mask = atom_mask.reshape(N, L * 14)
    return (feats, coors, mask)

# --- scband reference (transcript-rebuilt; emitter-appended) ---
"""Pipeline reference for scband-atom-encoder-with-phys-chem-57887569215660 (READ-ONLY COPY).

The authoritative reference and input builder live on the scoring server;
editing this copy changes nothing except your own understanding.
"""

import jax, jax.numpy as jnp
import numpy as np

FEAT_DIM = 128

def setup_inputs(seed: int = 0) -> dict:
    key = jax.random.key(seed)
    ks = jax.random.split(key, 12)
    N, L = 16, 2048
    half = FEAT_DIM // 2
    aa = jax.random.randint(ks[0], (N, L), 0, 21, dtype=jnp.int32)
    pos14 = jax.random.normal(ks[1], (N, L, 14, 3), dtype=jnp.float32)
    atom_mask = jax.random.uniform(ks[2], (N, L, 14), dtype=jnp.float32)
    phys = jax.random.normal(ks[3], (N, L, 2), dtype=jnp.float32)
    crg = jax.random.randint(ks[4], (N, L), 0, 3, dtype=jnp.int32)
    res_table = jax.random.normal(ks[5], (21, half), dtype=jnp.float32)
    atom_table = jax.random.normal(ks[6], (14, half), dtype=jnp.float32)
    crg_table = jax.random.normal(ks[7], (3, 16), dtype=jnp.float32)
    Wp = jax.random.normal(ks[8], (2, 16), dtype=jnp.float32) * 0.1
    bp = jnp.zeros((16,), dtype=jnp.float32)
    Wf = jax.random.normal(ks[9], (FEAT_DIM + 16, FEAT_DIM), dtype=jnp.float32) * 0.05
    bf = jnp.zeros((FEAT_DIM,), dtype=jnp.float32)
    return {"aa": aa, "pos14": pos14, "atom_mask": atom_mask, "phys": phys, "crg": crg,
            "res_table": res_table, "atom_table": atom_table, "crg_table": crg_table,
            "Wp": Wp, "bp": bp, "Wf": Wf, "bf": bf}

def reference(aa, pos14, atom_mask, phys, crg, res_table, atom_table, crg_table, Wp, bp, Wf, bf):
    N, L = aa.shape
    residual_idx = jnp.broadcast_to(aa[:, :, None], (N, L, 14)).reshape(N, -1)
    coors = pos14.reshape(N, -1, 3)
    mask = atom_mask.reshape(N, -1)
    atom_idx = jnp.broadcast_to(jnp.arange(14, dtype=jnp.int32)[None, None, :], (N, L, 14)).reshape(N, -1)
    residual_feat = jnp.take(res_table, residual_idx, axis=0)
    atom_feat = jnp.take(atom_table, atom_idx, axis=0)
    phys_feat = jnp.broadcast_to(phys[:, :, None, :], (N, L, 14, 2)).reshape(N, -1, 2)
    phys_feat = phys_feat @ Wp + bp  # computed in original forward but unused when use_chain_feat=False
    crg_idx = jnp.broadcast_to(crg[:, :, None], (N, L, 14)).reshape(N, -1)
    crg_feat = jnp.take(crg_table, crg_idx, axis=0)
    feats = jnp.concatenate([residual_feat, atom_feat, crg_feat], axis=-1)
    feats = feats @ Wf + bf
    return (feats, coors, mask)

if __name__ == "__main__":
    import jax
    _d = setup_inputs()
    print(jax.jit(kernel)(*tuple(_d.values())))

</pallas_src>

<mosaic_0001>
#map = affine_map<(d0, d1) -> (0, 0)>
#map1 = affine_map<(d0, d1) -> (0)>
module attributes {stable_mosaic.version = 14 : i64} {
  func.func @sc_kernel(%arg0: i32, %arg1: i32, %arg2: memref<896x128xf32, #tpu.memory_space<hbm>>, %arg3: memref<32768xi32, #tpu.memory_space<hbm>>, %arg4: memref<32768xi32, #tpu.memory_space<hbm>>, %arg5: memref<458752x128xf32, #tpu.memory_space<hbm>>, %arg6: memref<63x14x128xf32, #tpu.memory_space<hbm>>, %arg7: memref<112x128xf32, #tpu.memory_space<vmem>>, %arg8: memref<1024xi32, #tpu.memory_space<vmem>>, %arg9: memref<1024xi32, #tpu.memory_space<vmem>>, %arg10: memref<224x128xf32, #tpu.memory_space<vmem>>, %arg11: memref<224x128xf32, #tpu.memory_space<vmem>>, %arg12: memref<224x128xf32, #tpu.memory_space<vmem>>, %arg13: memref<224x128xf32, #tpu.memory_space<vmem>>, %arg14: memref<!tpu.dma_semaphore, #tpu.memory_space<semaphore_mem>>, %arg15: memref<!tpu.dma_semaphore, #tpu.memory_space<semaphore_mem>>, %arg16: memref<!tpu.dma_semaphore, #tpu.memory_space<semaphore_mem>>, %arg17: memref<!tpu.dma_semaphore, #tpu.memory_space<semaphore_mem>>, %arg18: memref<!tpu.dma_semaphore, #tpu.memory_space<semaphore_mem>>, %arg19: memref<!tpu.dma_semaphore, #tpu.memory_space<semaphore_mem>>, %arg20: memref<!tpu.dma_semaphore, #tpu.memory_space<semaphore_mem>>, %arg21: memref<!tpu.dma_semaphore, #tpu.memory_space<semaphore_mem>>) attributes {dimension_semantics = [#tpu.dimension_semantics<core_parallel>, #tpu.dimension_semantics<subcore_parallel>], iteration_bounds = array<i64: 2, 16>, scalar_prefetch = 0 : i64, scratch_operands = 16 : i64, tpu.core_type = #tpu.core_type<sc_vector_subcore>, window_params = [{transform_indices = #map}, {transform_indices = #map1}, {transform_indices = #map1}, {transform_indices = #map}]} {
    %mul3A = arith.constant 2 : i32
    %mul3A_0 = arith.muli %arg1, %mul3A : i32
    %add3A = arith.addi %mul3A_0, %arg0 : i32
    %mul3A_1 = arith.constant 1024 : i32
    %mul3A_2 = arith.muli %add3A, %mul3A_1 : i32
    %eq3A = arith.constant 0 : i32
    %eq3A_3 = arith.cmpi eq, %arg1, %eq3A : i32
    %convert_element_type3A = arith.extui %eq3A_3 : i1 to i32
    %cond3A = arith.constant 0 : i32
    %cond3A_4 = arith.cmpi ne, %convert_element_type3A, %cond3A : i32
    scf.if %cond3A_4 {
      %scan3A_72 = arith.constant 0 : i32
      %scan3A_73 = arith.constant 8 : i32
      %scan3A_74 = arith.addi %scan3A_72, %scan3A_73 : i32
      %scan3A_75 = arith.constant 1 : i32
      scf.for %scan3A_77 = %scan3A_72 to %scan3A_74 step %scan3A_75  : i32 {
        %mul3A_78 = arith.constant 1 : i32
        %mul3A_79 = arith.muli %scan3A_77, %mul3A_78 : i32
        %add3A_80 = arith.constant 0 : i32
        %add3A_81 = arith.addi %add3A_80, %mul3A_79 : i32
        %mul3A_82 = arith.constant 112 : i32
        %mul3A_83 = arith.muli %add3A_81, %mul3A_82 : i32
        "tpu.region"() ({
          %run_scoped3A = tpu.sem_alloc : memref<!tpu.dma_semaphore, #tpu.memory_space<semaphore_mem>>
          %dma_start3A_86 = arith.constant 0 : i32
          %dma_start3A_87 = tpu.memref_slice %arg2[%mul3A_83, %dma_start3A_86] : memref<896x128xf32, #tpu.memory_space<hbm>> -> memref<112x128xf32, #tpu.memory_space<hbm>>
          %dma_start3A_88 = arith.constant 0 : i32
          %dma_start3A_89 = tpu.memref_slice %arg2[%mul3A_83, %dma_start3A_88] : memref<896x128xf32, #tpu.memory_space<hbm>> -> memref<112x128xf32, #tpu.memory_space<hbm>>
          tpu.enqueue_dma source(%dma_start3A_89 : memref<112x128xf32, #tpu.memory_space<hbm>>) target(%arg7 : memref<112x128xf32, #tpu.memory_space<vmem>>) target_semaphore(%run_scoped3A : memref<!tpu.dma_semaphore, #tpu.memory_space<semaphore_mem>>)
          %dma_wait3A_90 = arith.constant 0 : i32
          %dma_wait3A_91 = tpu.memref_slice %arg2[%mul3A_83, %dma_wait3A_90] : memref<896x128xf32, #tpu.memory_space<hbm>> -> memref<112x128xf32, #tpu.memory_space<hbm>>
          %dma_wait3A_92 = arith.constant 0 : i32
          %dma_wait3A_93 = tpu.memref_slice %arg2[%mul3A_83, %dma_wait3A_92] : memref<896x128xf32, #tpu.memory_space<hbm>> -> memref<112x128xf32, #tpu.memory_space<hbm>>
          tpu.wait_dma2 semaphore(%run_scoped3A : memref<!tpu.dma_semaphore, #tpu.memory_space<semaphore_mem>>) src(%dma_wait3A_93 : memref<112x128xf32, #tpu.memory_space<hbm>>) dst(%arg7 : memref<112x128xf32, #tpu.memory_space<vmem>>)
          tpu.yield
        }) : () -> ()
        %mul3A_84 = arith.constant 8 : i32
        %mul3A_85 = arith.muli %add3A_81, %mul3A_84 : i32
        "tpu.region"() ({
          %run_scoped3A = tpu.sem_alloc : memref<!tpu.dma_semaphore, #tpu.memory_space<semaphore_mem>>
          %dma_start3A_86 = tpu.memref_reshape %arg7 : memref<112x128xf32, #tpu.memory_space<vmem>> -> memref<8x14x128xf32, #tpu.memory_space<vmem>>
          %dma_start3A_87 = arith.constant 0 : i32
          %dma_start3A_88 = arith.constant 0 : i32
          %dma_start3A_89 = tpu.memref_slice %arg6[%mul3A_85, %dma_start3A_87, %dma_start3A_88] : memref<63x14x128xf32, #tpu.memory_space<hbm>> -> memref<8x14x128xf32, #tpu.memory_space<hbm>>
          %dma_start3A_90 = arith.constant 0 : i32
          %dma_start3A_91 = arith.constant 0 : i32
          %dma_start3A_92 = tpu.memref_slice %arg6[%mul3A_85, %dma_start3A_90, %dma_start3A_91] : memref<63x14x128xf32, #tpu.memory_space<hbm>> -> memref<8x14x128xf32, #tpu.memory_space<hbm>>
          %dma_start3A_93 = tpu.memref_reshape %arg7 : memref<112x128xf32, #tpu.memory_space<vmem>> -> memref<8x14x128xf32, #tpu.memory_space<vmem>>
          tpu.enqueue_dma source(%dma_start3A_93 : memref<8x14x128xf32, #tpu.memory_space<vmem>>) target(%dma_start3A_92 : memref<8x14x128xf32, #tpu.memory_space<hbm>>) target_semaphore(%run_scoped3A : memref<!tpu.dma_semaphore, #tpu.memory_space<semaphore_mem>>)
          %dma_wait3A_94 = tpu.memref_reshape %arg7 : memref<112x128xf32, #tpu.memory_space<vmem>> -> memref<8x14x128xf32, #tpu.memory_space<vmem>>
          %dma_wait3A_95 = arith.constant 0 : i32
          %dma_wait3A_96 = arith.constant 0 : i32
          %dma_wait3A_97 = tpu.memref_slice %arg6[%mul3A_85, %dma_wait3A_95, %dma_wait3A_96] : memref<63x14x128xf32, #tpu.memory_space<hbm>> -> memref<8x14x128xf32, #tpu.memory_space<hbm>>
          %dma_wait3A_98 = arith.constant 0 : i32
          %dma_wait3A_99 = arith.constant 0 : i32
          %dma_wait3A_100 = tpu.memref_slice %arg6[%mul3A_85, %dma_wait3A_98, %dma_wait3A_99] : memref<63x14x128xf32, #tpu.memory_space<hbm>> -> memref<8x14x128xf32, #tpu.memory_space<hbm>>
          %dma_wait3A_101 = tpu.memref_reshape %arg7 : memref<112x128xf32, #tpu.memory_space<vmem>> -> memref<8x14x128xf32, #tpu.memory_space<vmem>>
          tpu.wait_dma2 semaphore(%run_scoped3A : memref<!tpu.dma_semaphore, #tpu.memory_space<semaphore_mem>>) src(%dma_wait3A_101 : memref<8x14x128xf32, #tpu.memory_space<vmem>>) dst(%dma_wait3A_100 : memref<8x14x128xf32, #tpu.memory_space<hbm>>)
          tpu.yield
        }) : () -> ()
      }
      %scan3A_76 = arith.constant 8 : i32
    } else {
    }
    %barrier3A = arith.constant 0 : index
    tpu.barrier barrier_id(%barrier3A)
    "tpu.region"() ({
      %run_scoped3A = tpu.sem_alloc : memref<!tpu.dma_semaphore, #tpu.memory_space<semaphore_mem>>
      %dma_start3A_72 = tpu.memref_slice %arg3[%mul3A_2] : memref<32768xi32, #tpu.memory_space<hbm>> -> memref<1024xi32, #tpu.memory_space<hbm>>
      %dma_start3A_73 = tpu.memref_slice %arg3[%mul3A_2] : memref<32768xi32, #tpu.memory_space<hbm>> -> memref<1024xi32, #tpu.memory_space<hbm>>
      tpu.enqueue_dma source(%dma_start3A_73 : memref<1024xi32, #tpu.memory_space<hbm>>) target(%arg8 : memref<1024xi32, #tpu.memory_space<vmem>>) target_semaphore(%run_scoped3A : memref<!tpu.dma_semaphore, #tpu.memory_space<semaphore_mem>>)
      %dma_wait3A_74 = tpu.memref_slice %arg3[%mul3A_2] : memref<32768xi32, #tpu.memory_space<hbm>> -> memref<1024xi32, #tpu.memory_space<hbm>>
      %dma_wait3A_75 = tpu.memref_slice %arg3[%mul3A_2] : memref<32768xi32, #tpu.memory_space<hbm>> -> memref<1024xi32, #tpu.memory_space<hbm>>
      tpu.wait_dma2 semaphore(%run_scoped3A : memref<!tpu.dma_semaphore, #tpu.memory_space<semaphore_mem>>) src(%dma_wait3A_75 : memref<1024xi32, #tpu.memory_space<hbm>>) dst(%arg8 : memref<1024xi32, #tpu.memory_space<vmem>>)
      tpu.yield
    }) : () -> ()
    "tpu.region"() ({
      %run_scoped3A = tpu.sem_alloc : memref<!tpu.dma_semaphore, #tpu.memory_space<semaphore_mem>>
      %dma_start3A_72 = tpu.memref_slice %arg4[%mul3A_2] : memref<32768xi32, #tpu.memory_space<hbm>> -> memref<1024xi32, #tpu.memory_space<hbm>>
      %dma_start3A_73 = tpu.memref_slice %arg4[%mul3A_2] : memref<32768xi32, #tpu.memory_space<hbm>> -> memref<1024xi32, #tpu.memory_space<hbm>>
      tpu.enqueue_dma source(%dma_start3A_73 : memref<1024xi32, #tpu.memory_space<hbm>>) target(%arg9 : memref<1024xi32, #tpu.memory_space<vmem>>) target_semaphore(%run_scoped3A : memref<!tpu.dma_semaphore, #tpu.memory_space<semaphore_mem>>)
      %dma_wait3A_74 = tpu.memref_slice %arg4[%mul3A_2] : memref<32768xi32, #tpu.memory_space<hbm>> -> memref<1024xi32, #tpu.memory_space<hbm>>
      %dma_wait3A_75 = tpu.memref_slice %arg4[%mul3A_2] : memref<32768xi32, #tpu.memory_space<hbm>> -> memref<1024xi32, #tpu.memory_space<hbm>>
      tpu.wait_dma2 semaphore(%run_scoped3A : memref<!tpu.dma_semaphore, #tpu.memory_space<semaphore_mem>>) src(%dma_wait3A_75 : memref<1024xi32, #tpu.memory_space<hbm>>) dst(%arg9 : memref<1024xi32, #tpu.memory_space<vmem>>)
      tpu.yield
    }) : () -> ()
    %scan3A = arith.constant 0 : i32
    %scan3A_5 = arith.constant 64 : i32
    %scan3A_6 = arith.addi %scan3A, %scan3A_5 : i32
    %scan3A_7 = arith.constant 1 : i32
    scf.for %scan3A_72 = %scan3A to %scan3A_6 step %scan3A_7  : i32 {
      %mul3A_73 = arith.constant 1 : i32
      %mul3A_74 = arith.muli %scan3A_72, %mul3A_73 : i32
      %add3A_75 = arith.constant 0 : i32
      %add3A_76 = arith.addi %add3A_75, %mul3A_74 : i32
      %mul3A_77 = arith.constant 16 : i32
      %mul3A_78 = arith.muli %add3A_76, %mul3A_77 : i32
      %get3A = arith.index_cast %mul3A_78 : i32 to index
      %get3A_79 = tpu.vector_load %arg8[%get3A] {strides = array<i32>} : memref<1024xi32, #tpu.memory_space<vmem>>, vector<16xi32>,
      %get3A_80 = vector.shape_cast %get3A_79 : vector<16xi32> to vector<16xi32>
      %mul3A_81 = arith.constant 3 : i32
      %mul3A_82 = vector.broadcast %mul3A_81 : i32 to vector<16xi32>
      %mul3A_83 = arith.muli %get3A_80, %mul3A_82 : vector<16xi32>
      %get3A_84 = arith.index_cast %mul3A_78 : i32 to index
      %get3A_85 = tpu.vector_load %arg9[%get3A_84] {strides = array<i32>} : memref<1024xi32, #tpu.memory_space<vmem>>, vector<16xi32>,
      %get3A_86 = vector.shape_cast %get3A_85 : vector<16xi32> to vector<16xi32>
      %add3A_87 = arith.addi %mul3A_83, %get3A_86 : vector<16xi32>
      %swap3A = arith.index_cast %mul3A_78 : i32 to index
      %swap3A_88 = tpu.vector_load %arg9[%swap3A] {strides = array<i32>} : memref<1024xi32, #tpu.memory_space<vmem>>, vector<16xi32>,
      %swap3A_89 = vector.shape_cast %swap3A_88 : vector<16xi32> to vector<16xi32>
      %swap3A_90 = vector.shape_cast %add3A_87 : vector<16xi32> to vector<16xi32>
      tpu.vector_store %arg9[%swap3A], %swap3A_90 {strides = array<i32>} : memref<1024xi32, #tpu.memory_space<vmem>>, vector<16xi32>,
    }
    %scan3A_8 = arith.constant 64 : i32
    %dma_start3A = tpu.memref_reshape %arg10 : memref<224x128xf32, #tpu.memory_space<vmem>> -> memref<16x14x128xf32, #tpu.memory_space<vmem>>
    %dma_start3A_9 = arith.constant 0 : i32
    %dma_start3A_10 = tpu.memref_slice %arg9[%dma_start3A_9] : memref<1024xi32, #tpu.memory_space<vmem>> -> memref<16xi32, #tpu.memory_space<vmem>>
    %dma_start3A_11 = arith.constant 0 : i32
    %dma_start3A_12 = arith.constant 0 : i32
    %dma_start3A_13 = arith.constant 0 : i32
    %dma_start3A_14 = tpu.memref_slice %arg6[%dma_start3A_11, %dma_start3A_12, %dma_start3A_13] : memref<63x14x128xf32, #tpu.memory_space<hbm>> -> memref<63x14x128xf32, #tpu.memory_space<hbm>>
    tpu.enqueue_indirect_dma source(%dma_start3A_14 : memref<63x14x128xf32, #tpu.memory_space<hbm>>) target(%dma_start3A : memref<16x14x128xf32, #tpu.memory_space<vmem>>) offsets(%dma_start3A_10 : memref<16xi32, #tpu.memory_space<vmem>>) semaphore(%arg14 : memref<!tpu.dma_semaphore, #tpu.memory_space<semaphore_mem>>)
    %dma_start3A_15 = tpu.memref_reshape %arg11 : memref<224x128xf32, #tpu.memory_space<vmem>> -> memref<16x14x128xf32, #tpu.memory_space<vmem>>
    %dma_start3A_16 = arith.constant 16 : i32
    %dma_start3A_17 = tpu.memref_slice %arg9[%dma_start3A_16] : memref<1024xi32, #tpu.memory_space<vmem>> -> memref<16xi32, #tpu.memory_space<vmem>>
    %dma_start3A_18 = arith.constant 0 : i32
    %dma_start3A_19 = arith.constant 0 : i32
    %dma_start3A_20 = arith.constant 0 : i32
    %dma_start3A_21 = tpu.memref_slice %arg6[%dma_start3A_18, %dma_start3A_19, %dma_start3A_20] : memref<63x14x128xf32, #tpu.memory_space<hbm>> -> memref<63x14x128xf32, #tpu.memory_space<hbm>>
    tpu.enqueue_indirect_dma source(%dma_start3A_21 : memref<63x14x128xf32, #tpu.memory_space<hbm>>) target(%dma_start3A_15 : memref<16x14x128xf32, #tpu.memory_space<vmem>>) offsets(%dma_start3A_17 : memref<16xi32, #tpu.memory_space<vmem>>) semaphore(%arg15 : memref<!tpu.dma_semaphore, #tpu.memory_space<semaphore_mem>>)
    %dma_start3A_22 = tpu.memref_reshape %arg12 : memref<224x128xf32, #tpu.memory_space<vmem>> -> memref<16x14x128xf32, #tpu.memory_space<vmem>>
    %dma_start3A_23 = arith.constant 32 : i32
    %dma_start3A_24 = tpu.memref_slice %arg9[%dma_start3A_23] : memref<1024xi32, #tpu.memory_space<vmem>> -> memref<16xi32, #tpu.memory_space<vmem>>
    %dma_start3A_25 = arith.constant 0 : i32
    %dma_start3A_26 = arith.constant 0 : i32
    %dma_start3A_27 = arith.constant 0 : i32
    %dma_start3A_28 = tpu.memref_slice %arg6[%dma_start3A_25, %dma_start3A_26, %dma_start3A_27] : memref<63x14x128xf32, #tpu.memory_space<hbm>> -> memref<63x14x128xf32, #tpu.memory_space<hbm>>
    tpu.enqueue_indirect_dma source(%dma_start3A_28 : memref<63x14x128xf32, #tpu.memory_space<hbm>>) target(%dma_start3A_22 : memref<16x14x128xf32, #tpu.memory_space<vmem>>) offsets(%dma_start3A_24 : memref<16xi32, #tpu.memory_space<vmem>>) semaphore(%arg16 : memref<!tpu.dma_semaphore, #tpu.memory_space<semaphore_mem>>)
    %dma_start3A_29 = tpu.memref_reshape %arg13 : memref<224x128xf32, #tpu.memory_space<vmem>> -> memref<16x14x128xf32, #tpu.memory_space<vmem>>
    %dma_start3A_30 = arith.constant 48 : i32
    %dma_start3A_31 = tpu.memref_slice %arg9[%dma_start3A_30] : memref<1024xi32, #tpu.memory_space<vmem>> -> memref<16xi32, #tpu.memory_space<vmem>>
    %dma_start3A_32 = arith.constant 0 : i32
    %dma_start3A_33 = arith.constant 0 : i32
    %dma_start3A_34 = arith.constant 0 : i32
    %dma_start3A_35 = tpu.memref_slice %arg6[%dma_start3A_32, %dma_start3A_33, %dma_start3A_34] : memref<63x14x128xf32, #tpu.memory_space<hbm>> -> memref<63x14x128xf32, #tpu.memory_space<hbm>>
    tpu.enqueue_indirect_dma source(%dma_start3A_35 : memref<63x14x128xf32, #tpu.memory_space<hbm>>) target(%dma_start3A_29 : memref<16x14x128xf32, #tpu.memory_space<vmem>>) offsets(%dma_start3A_31 : memref<16xi32, #tpu.memory_space<vmem>>) semaphore(%arg17 : memref<!tpu.dma_semaphore, #tpu.memory_space<semaphore_mem>>)
    %scan3A_36 = arith.constant 0 : i32
    %scan3A_37 = arith.constant 16 : i32
    %scan3A_38 = arith.addi %scan3A_36, %scan3A_37 : i32
    %scan3A_39 = arith.constant 1 : i32
    scf.for %scan3A_72 = %scan3A_36 to %scan3A_38 step %scan3A_39  : i32 {
      %mul3A_73 = arith.constant 4 : i32
      %mul3A_74 = arith.muli %scan3A_72, %mul3A_73 : i32
      %add3A_75 = arith.constant 0 : i32
      %add3A_76 = arith.addi %add3A_75, %mul3A_74 : i32
      %add3A_77 = arith.constant 0 : i32
      %add3A_78 = arith.addi %add3A_76, %add3A_77 : i32
      %mul3A_79 = arith.constant 16 : i32
      %mul3A_80 = arith.muli %add3A_78, %mul3A_79 : i32
      %dma_wait3A_81 = tpu.memref_reshape %arg10 : memref<224x128xf32, #tpu.memory_space<vmem>> -> memref<16x14x128xf32, #tpu.memory_space<vmem>>
      %dma_wait3A_82 = tpu.memref_slice %arg9[%mul3A_80] : memref<1024xi32, #tpu.memory_space<vmem>> -> memref<16xi32, #tpu.memory_space<vmem>>
      %dma_wait3A_83 = arith.constant 0 : i32
      %dma_wait3A_84 = arith.constant 0 : i32
      %dma_wait3A_85 = arith.constant 0 : i32
      %dma_wait3A_86 = tpu.memref_slice %arg6[%dma_wait3A_83, %dma_wait3A_84, %dma_wait3A_85] : memref<63x14x128xf32, #tpu.memory_space<hbm>> -> memref<63x14x128xf32, #tpu.memory_space<hbm>>
      tpu.wait_indirect_dma semaphore(%arg14 : memref<!tpu.dma_semaphore, #tpu.memory_space<semaphore_mem>>) src(%dma_wait3A_86 : memref<63x14x128xf32, #tpu.memory_space<hbm>>) dst(%dma_wait3A_81 : memref<16x14x128xf32, #tpu.memory_space<vmem>>)
      %mul3A_87 = arith.constant 16 : i32
      %mul3A_88 = arith.muli %add3A_78, %mul3A_87 : i32
      %add3A_89 = arith.addi %mul3A_2, %mul3A_88 : i32
      %mul3A_90 = arith.constant 14 : i32
      %mul3A_91 = arith.muli %add3A_89, %mul3A_90 : i32
      %dma_start3A_92 = arith.constant 0 : i32
      %dma_start3A_93 = tpu.memref_slice %arg5[%mul3A_91, %dma_start3A_92] : memref<458752x128xf32, #tpu.memory_space<hbm>> -> memref<224x128xf32, #tpu.memory_space<hbm>>
      %dma_start3A_94 = arith.constant 0 : i32
      %dma_start3A_95 = tpu.memref_slice %arg5[%mul3A_91, %dma_start3A_94] : memref<458752x128xf32, #tpu.memory_space<hbm>> -> memref<224x128xf32, #tpu.memory_space<hbm>>
      tpu.enqueue_dma source(%arg10 : memref<224x128xf32, #tpu.memory_space<vmem>>) target(%dma_start3A_95 : memref<224x128xf32, #tpu.memory_space<hbm>>) target_semaphore(%arg18 : memref<!tpu.dma_semaphore, #tpu.memory_space<semaphore_mem>>)
      %add3A_96 = arith.constant 4 : i32
      %add3A_97 = arith.addi %add3A_78, %add3A_96 : i32
      %lt3A = arith.constant 64 : i32
      %lt3A_98 = arith.cmpi slt, %add3A_97, %lt3A : i32
      %convert_element_type3A_99 = arith.extui %lt3A_98 : i1 to i32
      %cond3A_100 = arith.constant 0 : i32
      %cond3A_101 = arith.cmpi ne, %convert_element_type3A_99, %cond3A_100 : i32
      scf.if %cond3A_101 {
        %mul3A_180 = arith.constant 16 : i32
        %mul3A_181 = arith.muli %add3A_78, %mul3A_180 : i32
        %add3A_182 = arith.addi %mul3A_2, %mul3A_181 : i32
        %mul3A_183 = arith.constant 14 : i32
        %mul3A_184 = arith.muli %add3A_182, %mul3A_183 : i32
        %dma_wait3A_185 = arith.constant 0 : i32
        %dma_wait3A_186 = tpu.memref_slice %arg5[%mul3A_184, %dma_wait3A_185] : memref<458752x128xf32, #tpu.memory_space<hbm>> -> memref<224x128xf32, #tpu.memory_space<hbm>>
        %dma_wait3A_187 = arith.constant 0 : i32
        %dma_wait3A_188 = tpu.memref_slice %arg5[%mul3A_184, %dma_wait3A_187] : memref<458752x128xf32, #tpu.memory_space<hbm>> -> memref<224x128xf32, #tpu.memory_space<hbm>>
        tpu.wait_dma2 semaphore(%arg18 : memref<!tpu.dma_semaphore, #tpu.memory_space<semaphore_mem>>) src(%arg10 : memref<224x128xf32, #tpu.memory_space<vmem>>) dst(%dma_wait3A_188 : memref<224x128xf32, #tpu.memory_space<hbm>>)
        %add3A_189 = arith.constant 4 : i32
        %add3A_190 = arith.addi %add3A_78, %add3A_189 : i32
        %mul3A_191 = arith.constant 16 : i32
        %mul3A_192 = arith.muli %add3A_190, %mul3A_191 : i32
        %dma_start3A_193 = tpu.memref_reshape %arg10 : memref<224x128xf32, #tpu.memory_space<vmem>> -> memref<16x14x128xf32, #tpu.memory_space<vmem>>
        %dma_start3A_194 = tpu.memref_slice %arg9[%mul3A_192] : memref<1024xi32, #tpu.memory_space<vmem>> -> memref<16xi32, #tpu.memory_space<vmem>>
        %dma_start3A_195 = arith.constant 0 : i32
        %dma_start3A_196 = arith.constant 0 : i32
        %dma_start3A_197 = arith.constant 0 : i32
        %dma_start3A_198 = tpu.memref_slice %arg6[%dma_start3A_195, %dma_start3A_196, %dma_start3A_197] : memref<63x14x128xf32, #tpu.memory_space<hbm>> -> memref<63x14x128xf32, #tpu.memory_space<hbm>>
        tpu.enqueue_indirect_dma source(%dma_start3A_198 : memref<63x14x128xf32, #tpu.memory_space<hbm>>) target(%dma_start3A_193 : memref<16x14x128xf32, #tpu.memory_space<vmem>>) offsets(%dma_start3A_194 : memref<16xi32, #tpu.memory_space<vmem>>) semaphore(%arg14 : memref<!tpu.dma_semaphore, #tpu.memory_space<semaphore_mem>>)
      } else {
      }
      %add3A_102 = arith.constant 1 : i32
      %add3A_103 = arith.addi %add3A_76, %add3A_102 : i32
      %mul3A_104 = arith.constant 16 : i32
      %mul3A_105 = arith.muli %add3A_103, %mul3A_104 : i32
      %dma_wait3A_106 = tpu.memref_reshape %arg11 : memref<224x128xf32, #tpu.memory_space<vmem>> -> memref<16x14x128xf32, #tpu.memory_space<vmem>>
      %dma_wait3A_107 = tpu.memref_slice %arg9[%mul3A_105] : memref<1024xi32, #tpu.memory_space<vmem>> -> memref<16xi32, #tpu.memory_space<vmem>>
      %dma_wait3A_108 = arith.constant 0 : i32
      %dma_wait3A_109 = arith.constant 0 : i32
      %dma_wait3A_110 = arith.constant 0 : i32
      %dma_wait3A_111 = tpu.memref_slice %arg6[%dma_wait3A_108, %dma_wait3A_109, %dma_wait3A_110] : memref<63x14x128xf32, #tpu.memory_space<hbm>> -> memref<63x14x128xf32, #tpu.memory_space<hbm>>
      tpu.wait_indirect_dma semaphore(%arg15 : memref<!tpu.dma_semaphore, #tpu.memory_space<semaphore_mem>>) src(%dma_wait3A_111 : memref<63x14x128xf32, #tpu.memory_space<hbm>>) dst(%dma_wait3A_106 : memref<16x14x128xf32, #tpu.memory_space<vmem>>)
      %mul3A_112 = arith.constant 16 : i32
      %mul3A_113 = arith.muli %add3A_103, %mul3A_112 : i32
      %add3A_114 = arith.addi %mul3A_2, %mul3A_113 : i32
      %mul3A_115 = arith.constant 14 : i32
      %mul3A_116 = arith.muli %add3A_114, %mul3A_115 : i32
      %dma_start3A_117 = arith.constant 0 : i32
      %dma_start3A_118 = tpu.memref_slice %arg5[%mul3A_116, %dma_start3A_117] : memref<458752x128xf32, #tpu.memory_space<hbm>> -> memref<224x128xf32, #tpu.memory_space<hbm>>
      %dma_start3A_119 = arith.constant 0 : i32
      %dma_start3A_120 = tpu.memref_slice %arg5[%mul3A_116, %dma_start3A_119] : memref<458752x128xf32, #tpu.memory_space<hbm>> -> memref<224x128xf32, #tpu.memory_space<hbm>>
      tpu.enqueue_dma source(%arg11 : memref<224x128xf32, #tpu.memory_space<vmem>>) target(%dma_start3A_120 : memref<224x128xf32, #tpu.memory_space<hbm>>) target_semaphore(%arg19 : memref<!tpu.dma_semaphore, #tpu.memory_space<semaphore_mem>>)
      %add3A_121 = arith.constant 4 : i32
      %add3A_122 = arith.addi %add3A_103, %add3A_121 : i32
      %lt3A_123 = arith.constant 64 : i32
      %lt3A_124 = arith.cmpi slt, %add3A_122, %lt3A_123 : i32
      %convert_element_type3A_125 = arith.extui %lt3A_124 : i1 to i32
      %cond3A_126 = arith.constant 0 : i32
      %cond3A_127 = arith.cmpi ne, %convert_element_type3A_125, %cond3A_126 : i32
      scf.if %cond3A_127 {
        %mul3A_180 = arith.constant 16 : i32
        %mul3A_181 = arith.muli %add3A_103, %mul3A_180 : i32
        %add3A_182 = arith.addi %mul3A_2, %mul3A_181 : i32
        %mul3A_183 = arith.constant 14 : i32
        %mul3A_184 = arith.muli %add3A_182, %mul3A_183 : i32
        %dma_wait3A_185 = arith.constant 0 : i32
        %dma_wait3A_186 = tpu.memref_slice %arg5[%mul3A_184, %dma_wait3A_185] : memref<458752x128xf32, #tpu.memory_space<hbm>> -> memref<224x128xf32, #tpu.memory_space<hbm>>
        %dma_wait3A_187 = arith.constant 0 : i32
        %dma_wait3A_188 = tpu.memref_slice %arg5[%mul3A_184, %dma_wait3A_187] : memref<458752x128xf32, #tpu.memory_space<hbm>> -> memref<224x128xf32, #tpu.memory_space<hbm>>
        tpu.wait_dma2 semaphore(%arg19 : memref<!tpu.dma_semaphore, #tpu.memory_space<semaphore_mem>>) src(%arg11 : memref<224x128xf32, #tpu.memory_space<vmem>>) dst(%dma_wait3A_188 : memref<224x128xf32, #tpu.memory_space<hbm>>)
        %add3A_189 = arith.constant 4 : i32
        %add3A_190 = arith.addi %add3A_103, %add3A_189 : i32
        %mul3A_191 = arith.constant 16 : i32
        %mul3A_192 = arith.muli %add3A_190, %mul3A_191 : i32
        %dma_start3A_193 = tpu.memref_reshape %arg11 : memref<224x128xf32, #tpu.memory_space<vmem>> -> memref<16x14x128xf32, #tpu.memory_space<vmem>>
        %dma_start3A_194 = tpu.memref_slice %arg9[%mul3A_192] : memref<1024xi32, #tpu.memory_space<vmem>> -> memref<16xi32, #tpu.memory_space<vmem>>
        %dma_start3A_195 = arith.constant 0 : i32
        %dma_start3A_196 = arith.constant 0 : i32
        %dma_start3A_197 = arith.constant 0 : i32
        %dma_start3A_198 = tpu.memref_slice %arg6[%dma_start3A_195, %dma_start3A_196, %dma_start3A_197] : memref<63x14x128xf32, #tpu.memory_space<hbm>> -> memref<63x14x128xf32, #tpu.memory_space<hbm>>
        tpu.enqueue_indirect_dma source(%dma_start3A_198 : memref<63x14x128xf32, #tpu.memory_space<hbm>>) target(%dma_start3A_193 : memref<16x14x128xf32, #tpu.memory_space<vmem>>) offsets(%dma_start3A_194 : memref<16xi32, #tpu.memory_space<vmem>>) semaphore(%arg15 : memref<!tpu.dma_semaphore, #tpu.memory_space<semaphore_mem>>)
      } else {
      }
      %add3A_128 = arith.constant 2 : i32
      %add3A_129 = arith.addi %add3A_76, %add3A_128 : i32
      %mul3A_130 = arith.constant 16 : i32
      %mul3A_131 = arith.muli %add3A_129, %mul3A_130 : i32
      %dma_wait3A_132 = tpu.memref_reshape %arg12 : memref<224x128xf32, #tpu.memory_space<vmem>> -> memref<16x14x128xf32, #tpu.memory_space<vmem>>
      %dma_wait3A_133 = tpu.memref_slice %arg9[%mul3A_131] : memref<1024xi32, #tpu.memory_space<vmem>> -> memref<16xi32, #tpu.memory_space<vmem>>
      %dma_wait3A_134 = arith.constant 0 : i32
      %dma_wait3A_135 = arith.constant 0 : i32
      %dma_wait3A_136 = arith.constant 0 : i32
      %dma_wait3A_137 = tpu.memref_slice %arg6[%dma_wait3A_134, %dma_wait3A_135, %dma_wait3A_136] : memref<63x14x128xf32, #tpu.memory_space<hbm>> -> memref<63x14x128xf32, #tpu.memory_space<hbm>>
      tpu.wait_indirect_dma semaphore(%arg16 : memref<!tpu.dma_semaphore, #tpu.memory_space<semaphore_mem>>) src(%dma_wait3A_137 : memref<63x14x128xf32, #tpu.memory_space<hbm>>) dst(%dma_wait3A_132 : memref<16x14x128xf32, #tpu.memory_space<vmem>>)
      %mul3A_138 = arith.constant 16 : i32
      %mul3A_139 = arith.muli %add3A_129, %mul3A_138 : i32
      %add3A_140 = arith.addi %mul3A_2, %mul3A_139 : i32
      %mul3A_141 = arith.constant 14 : i32
      %mul3A_142 = arith.muli %add3A_140, %mul3A_141 : i32
      %dma_start3A_143 = arith.constant 0 : i32
      %dma_start3A_144 = tpu.memref_slice %arg5[%mul3A_142, %dma_start3A_143] : memref<458752x128xf32, #tpu.memory_space<hbm>> -> memref<224x128xf32, #tpu.memory_space<hbm>>
      %dma_start3A_145 = arith.constant 0 : i32
      %dma_start3A_146 = tpu.memref_slice %arg5[%mul3A_142, %dma_start3A_145] : memref<458752x128xf32, #tpu.memory_space<hbm>> -> memref<224x128xf32, #tpu.memory_space<hbm>>
      tpu.enqueue_dma source(%arg12 : memref<224x128xf32, #tpu.memory_space<vmem>>) target(%dma_start3A_146 : memref<224x128xf32, #tpu.memory_space<hbm>>) target_semaphore(%arg20 : memref<!tpu.dma_semaphore, #tpu.memory_space<semaphore_mem>>)
      %add3A_147 = arith.constant 4 : i32
      %add3A_148 = arith.addi %add3A_129, %add3A_147 : i32
      %lt3A_149 = arith.constant 64 : i32
      %lt3A_150 = arith.cmpi slt, %add3A_148, %lt3A_149 : i32
      %convert_element_type3A_151 = arith.extui %lt3A_150 : i1 to i32
      %cond3A_152 = arith.constant 0 : i32
      %cond3A_153 = arith.cmpi ne, %convert_element_type3A_151, %cond3A_152 : i32
      scf.if %cond3A_153 {
        %mul3A_180 = arith.constant 16 : i32
        %mul3A_181 = arith.muli %add3A_129, %mul3A_180 : i32
        %add3A_182 = arith.addi %mul3A_2, %mul3A_181 : i32
        %mul3A_183 = arith.constant 14 : i32
        %mul3A_184 = arith.muli %add3A_182, %mul3A_183 : i32
        %dma_wait3A_185 = arith.constant 0 : i32
        %dma_wait3A_186 = tpu.memref_slice %arg5[%mul3A_184, %dma_wait3A_185] : memref<458752x128xf32, #tpu.memory_space<hbm>> -> memref<224x128xf32, #tpu.memory_space<hbm>>
        %dma_wait3A_187 = arith.constant 0 : i32
        %dma_wait3A_188 = tpu.memref_slice %arg5[%mul3A_184, %dma_wait3A_187] : memref<458752x128xf32, #tpu.memory_space<hbm>> -> memref<224x128xf32, #tpu.memory_space<hbm>>
        tpu.wait_dma2 semaphore(%arg20 : memref<!tpu.dma_semaphore, #tpu.memory_space<semaphore_mem>>) src(%arg12 : memref<224x128xf32, #tpu.memory_space<vmem>>) dst(%dma_wait3A_188 : memref<224x128xf32, #tpu.memory_space<hbm>>)
        %add3A_189 = arith.constant 4 : i32
        %add3A_190 = arith.addi %add3A_129, %add3A_189 : i32
        %mul3A_191 = arith.constant 16 : i32
        %mul3A_192 = arith.muli %add3A_190, %mul3A_191 : i32
        %dma_start3A_193 = tpu.memref_reshape %arg12 : memref<224x128xf32, #tpu.memory_space<vmem>> -> memref<16x14x128xf32, #tpu.memory_space<vmem>>
        %dma_start3A_194 = tpu.memref_slice %arg9[%mul3A_192] : memref<1024xi32, #tpu.memory_space<vmem>> -> memref<16xi32, #tpu.memory_space<vmem>>
        %dma_start3A_195 = arith.constant 0 : i32
        %dma_start3A_196 = arith.constant 0 : i32
        %dma_start3A_197 = arith.constant 0 : i32
        %dma_start3A_198 = tpu.memref_slice %arg6[%dma_start3A_195, %dma_start3A_196, %dma_start3A_197] : memref<63x14x128xf32, #tpu.memory_space<hbm>> -> memref<63x14x128xf32, #tpu.memory_space<hbm>>
        tpu.enqueue_indirect_dma source(%dma_start3A_198 : memref<63x14x128xf32, #tpu.memory_space<hbm>>) target(%dma_start3A_193 : memref<16x14x128xf32, #tpu.memory_space<vmem>>) offsets(%dma_start3A_194 : memref<16xi32, #tpu.memory_space<vmem>>) semaphore(%arg16 : memref<!tpu.dma_semaphore, #tpu.memory_space<semaphore_mem>>)
      } else {
      }
      %add3A_154 = arith.constant 3 : i32
      %add3A_155 = arith.addi %add3A_76, %add3A_154 : i32
      %mul3A_156 = arith.constant 16 : i32
      %mul3A_157 = arith.muli %add3A_155, %mul3A_156 : i32
      %dma_wait3A_158 = tpu.memref_reshape %arg13 : memref<224x128xf32, #tpu.memory_space<vmem>> -> memref<16x14x128xf32, #tpu.memory_space<vmem>>
      %dma_wait3A_159 = tpu.memref_slice %arg9[%mul3A_157] : memref<1024xi32, #tpu.memory_space<vmem>> -> memref<16xi32, #tpu.memory_space<vmem>>
      %dma_wait3A_160 = arith.constant 0 : i32
      %dma_wait3A_161 = arith.constant 0 : i32
      %dma_wait3A_162 = arith.constant 0 : i32
      %dma_wait3A_163 = tpu.memref_slice %arg6[%dma_wait3A_160, %dma_wait3A_161, %dma_wait3A_162] : memref<63x14x128xf32, #tpu.memory_space<hbm>> -> memref<63x14x128xf32, #tpu.memory_space<hbm>>
      tpu.wait_indirect_dma semaphore(%arg17 : memref<!tpu.dma_semaphore, #tpu.memory_space<semaphore_mem>>) src(%dma_wait3A_163 : memref<63x14x128xf32, #tpu.memory_space<hbm>>) dst(%dma_wait3A_158 : memref<16x14x128xf32, #tpu.memory_space<vmem>>)
      %mul3A_164 = arith.constant 16 : i32
      %mul3A_165 = arith.muli %add3A_155, %mul3A_164 : i32
      %add3A_166 = arith.addi %mul3A_2, %mul3A_165 : i32
      %mul3A_167 = arith.constant 14 : i32
      %mul3A_168 = arith.muli %add3A_166, %mul3A_167 : i32
      %dma_start3A_169 = arith.constant 0 : i32
      %dma_start3A_170 = tpu.memref_slice %arg5[%mul3A_168, %dma_start3A_169] : memref<458752x128xf32, #tpu.memory_space<hbm>> -> memref<224x128xf32, #tpu.memory_space<hbm>>
      %dma_start3A_171 = arith.constant 0 : i32
      %dma_start3A_172 = tpu.memref_slice %arg5[%mul3A_168, %dma_start3A_171] : memref<458752x128xf32, #tpu.memory_space<hbm>> -> memref<224x128xf32, #tpu.memory_space<hbm>>
      tpu.enqueue_dma source(%arg13 : memref<224x128xf32, #tpu.memory_space<vmem>>) target(%dma_start3A_172 : memref<224x128xf32, #tpu.memory_space<hbm>>) target_semaphore(%arg21 : memref<!tpu.dma_semaphore, #tpu.memory_space<semaphore_mem>>)
      %add3A_173 = arith.constant 4 : i32
      %add3A_174 = arith.addi %add3A_155, %add3A_173 : i32
      %lt3A_175 = arith.constant 64 : i32
      %lt3A_176 = arith.cmpi slt, %add3A_174, %lt3A_175 : i32
      %convert_element_type3A_177 = arith.extui %lt3A_176 : i1 to i32
      %cond3A_178 = arith.constant 0 : i32
      %cond3A_179 = arith.cmpi ne, %convert_element_type3A_177, %cond3A_178 : i32
      scf.if %cond3A_179 {
        %mul3A_180 = arith.constant 16 : i32
        %mul3A_181 = arith.muli %add3A_155, %mul3A_180 : i32
        %add3A_182 = arith.addi %mul3A_2, %mul3A_181 : i32
        %mul3A_183 = arith.constant 14 : i32
        %mul3A_184 = arith.muli %add3A_182, %mul3A_183 : i32
        %dma_wait3A_185 = arith.constant 0 : i32
        %dma_wait3A_186 = tpu.memref_slice %arg5[%mul3A_184, %dma_wait3A_185] : memref<458752x128xf32, #tpu.memory_space<hbm>> -> memref<224x128xf32, #tpu.memory_space<hbm>>
        %dma_wait3A_187 = arith.constant 0 : i32
        %dma_wait3A_188 = tpu.memref_slice %arg5[%mul3A_184, %dma_wait3A_187] : memref<458752x128xf32, #tpu.memory_space<hbm>> -> memref<224x128xf32, #tpu.memory_space<hbm>>
        tpu.wait_dma2 semaphore(%arg21 : memref<!tpu.dma_semaphore, #tpu.memory_space<semaphore_mem>>) src(%arg13 : memref<224x128xf32, #tpu.memory_space<vmem>>) dst(%dma_wait3A_188 : memref<224x128xf32, #tpu.memory_space<hbm>>)
        %add3A_189 = arith.constant 4 : i32
        %add3A_190 = arith.addi %add3A_155, %add3A_189 : i32
        %mul3A_191 = arith.constant 16 : i32
        %mul3A_192 = arith.muli %add3A_190, %mul3A_191 : i32
        %dma_start3A_193 = tpu.memref_reshape %arg13 : memref<224x128xf32, #tpu.memory_space<vmem>> -> memref<16x14x128xf32, #tpu.memory_space<vmem>>
        %dma_start3A_194 = tpu.memref_slice %arg9[%mul3A_192] : memref<1024xi32, #tpu.memory_space<vmem>> -> memref<16xi32, #tpu.memory_space<vmem>>
        %dma_start3A_195 = arith.constant 0 : i32
        %dma_start3A_196 = arith.constant 0 : i32
        %dma_start3A_197 = arith.constant 0 : i32
        %dma_start3A_198 = tpu.memref_slice %arg6[%dma_start3A_195, %dma_start3A_196, %dma_start3A_197] : memref<63x14x128xf32, #tpu.memory_space<hbm>> -> memref<63x14x128xf32, #tpu.memory_space<hbm>>
        tpu.enqueue_indirect_dma source(%dma_start3A_198 : memref<63x14x128xf32, #tpu.memory_space<hbm>>) target(%dma_start3A_193 : memref<16x14x128xf32, #tpu.memory_space<vmem>>) offsets(%dma_start3A_194 : memref<16xi32, #tpu.memory_space<vmem>>) semaphore(%arg17 : memref<!tpu.dma_semaphore, #tpu.memory_space<semaphore_mem>>)
      } else {
      }
    }
    %scan3A_40 = arith.constant 16 : i32
    %add3A_41 = arith.constant 960 : i32
    %add3A_42 = arith.addi %mul3A_2, %add3A_41 : i32
    %mul3A_43 = arith.constant 14 : i32
    %mul3A_44 = arith.muli %add3A_42, %mul3A_43 : i32
    %dma_wait3A = arith.constant 0 : i32
    %dma_wait3A_45 = tpu.memref_slice %arg5[%mul3A_44, %dma_wait3A] : memref<458752x128xf32, #tpu.memory_space<hbm>> -> memref<224x128xf32, #tpu.memory_space<hbm>>
    %dma_wait3A_46 = arith.constant 0 : i32
    %dma_wait3A_47 = tpu.memref_slice %arg5[%mul3A_44, %dma_wait3A_46] : memref<458752x128xf32, #tpu.memory_space<hbm>> -> memref<224x128xf32, #tpu.memory_space<hbm>>
    tpu.wait_dma2 semaphore(%arg18 : memref<!tpu.dma_semaphore, #tpu.memory_space<semaphore_mem>>) src(%arg10 : memref<224x128xf32, #tpu.memory_space<vmem>>) dst(%dma_wait3A_47 : memref<224x128xf32, #tpu.memory_space<hbm>>)
    %add3A_48 = arith.constant 976 : i32
    %add3A_49 = arith.addi %mul3A_2, %add3A_48 : i32
    %mul3A_50 = arith.constant 14 : i32
    %mul3A_51 = arith.muli %add3A_49, %mul3A_50 : i32
    %dma_wait3A_52 = arith.constant 0 : i32
    %dma_wait3A_53 = tpu.memref_slice %arg5[%mul3A_51, %dma_wait3A_52] : memref<458752x128xf32, #tpu.memory_space<hbm>> -> memref<224x128xf32, #tpu.memory_space<hbm>>
    %dma_wait3A_54 = arith.constant 0 : i32
    %dma_wait3A_55 = tpu.memref_slice %arg5[%mul3A_51, %dma_wait3A_54] : memref<458752x128xf32, #tpu.memory_space<hbm>> -> memref<224x128xf32, #tpu.memory_space<hbm>>
    tpu.wait_dma2 semaphore(%arg19 : memref<!tpu.dma_semaphore, #tpu.memory_space<semaphore_mem>>) src(%arg11 : memref<224x128xf32, #tpu.memory_space<vmem>>) dst(%dma_wait3A_55 : memref<224x128xf32, #tpu.memory_space<hbm>>)
    %add3A_56 = arith.constant 992 : i32
    %add3A_57 = arith.addi %mul3A_2, %add3A_56 : i32
    %mul3A_58 = arith.constant 14 : i32
    %mul3A_59 = arith.muli %add3A_57, %mul3A_58 : i32
    %dma_wait3A_60 = arith.constant 0 : i32
    %dma_wait3A_61 = tpu.memref_slice %arg5[%mul3A_59, %dma_wait3A_60] : memref<458752x128xf32, #tpu.memory_space<hbm>> -> memref<224x128xf32, #tpu.memory_space<hbm>>
    %dma_wait3A_62 = arith.constant 0 : i32
    %dma_wait3A_63 = tpu.memref_slice %arg5[%mul3A_59, %dma_wait3A_62] : memref<458752x128xf32, #tpu.memory_space<hbm>> -> memref<224x128xf32, #tpu.memory_space<hbm>>
    tpu.wait_dma2 semaphore(%arg20 : memref<!tpu.dma_semaphore, #tpu.memory_space<semaphore_mem>>) src(%arg12 : memref<224x128xf32, #tpu.memory_space<vmem>>) dst(%dma_wait3A_63 : memref<224x128xf32, #tpu.memory_space<hbm>>)
    %add3A_64 = arith.constant 1008 : i32
    %add3A_65 = arith.addi %mul3A_2, %add3A_64 : i32
    %mul3A_66 = arith.constant 14 : i32
    %mul3A_67 = arith.muli %add3A_65, %mul3A_66 : i32
    %dma_wait3A_68 = arith.constant 0 : i32
    %dma_wait3A_69 = tpu.memref_slice %arg5[%mul3A_67, %dma_wait3A_68] : memref<458752x128xf32, #tpu.memory_space<hbm>> -> memref<224x128xf32, #tpu.memory_space<hbm>>
    %dma_wait3A_70 = arith.constant 0 : i32
    %dma_wait3A_71 = tpu.memref_slice %arg5[%mul3A_67, %dma_wait3A_70] : memref<458752x128xf32, #tpu.memory_space<hbm>> -> memref<224x128xf32, #tpu.memory_space<hbm>>
    tpu.wait_dma2 semaphore(%arg21 : memref<!tpu.dma_semaphore, #tpu.memory_space<semaphore_mem>>) src(%arg13 : memref<224x128xf32, #tpu.memory_space<vmem>>) dst(%dma_wait3A_71 : memref<224x128xf32, #tpu.memory_space<hbm>>)
    return
  }
}

module attributes {stable_mosaic.version = 14 : i64} {
  func.func @_table_body(%arg0: memref<21x64xf32, #tpu.memory_space<vmem>>, %arg1: memref<14x64xf32, #tpu.memory_space<vmem>>, %arg2: memref<3x16xf32, #tpu.memory_space<vmem>>, %arg3: memref<144x128xf32, #tpu.memory_space<vmem>>, %arg4: memref<128xf32, #tpu.memory_space<vmem>>, %arg5: memref<896x128xf32, #tpu.memory_space<vmem>>) attributes {dimension_semantics = [], scalar_prefetch = 0 : i64, scratch_operands = 0 : i64, tpu.core_type = #tpu.core_type<tc>} {
    %get3A = arith.constant 0 : index
    %get3A_0 = arith.constant 0 : index
    %get3A_1 = vector.load %arg0[%get3A, %get3A_0] : memref<21x64xf32, #tpu.memory_space<vmem>>, vector<21x64xf32>
    %get3A_2 = arith.constant 0 : index
    %get3A_3 = arith.constant 0 : index
    %get3A_4 = vector.load %arg3[%get3A_2, %get3A_3] : memref<144x128xf32, #tpu.memory_space<vmem>>, vector<64x128xf32>
    %dot_general3A = arith.constant dense<0.000000e+00> : vector<21x128xf32>
    %dot_general3A_5 = tpu.matmul %get3A_1, %get3A_4, %dot_general3A {dimension_numbers = #tpu.dot_dimension_numbers<[1], [0], [0], [1], [0, 0, 1, 1], [], []>, transpose_lhs_hint = false} : vector<21x64xf32>, vector<64x128xf32>, vector<21x128xf32> -> vector<21x128xf32>
    %get3A_6 = arith.constant 0 : index
    %get3A_7 = arith.constant 0 : index
    %get3A_8 = vector.load %arg1[%get3A_6, %get3A_7] : memref<14x64xf32, #tpu.memory_space<vmem>>, vector<14x64xf32>
    %get3A_9 = arith.constant 64 : index
    %get3A_10 = arith.constant 0 : index
    %get3A_11 = vector.load %arg3[%get3A_9, %get3A_10] : memref<144x128xf32, #tpu.memory_space<vmem>>, vector<64x128xf32>
    %dot_general3A_12 = arith.constant dense<0.000000e+00> : vector<14x128xf32>
    %dot_general3A_13 = tpu.matmul %get3A_8, %get3A_11, %dot_general3A_12 {dimension_numbers = #tpu.dot_dimension_numbers<[1], [0], [0], [1], [0, 0, 1, 1], [], []>, transpose_lhs_hint = false} : vector<14x64xf32>, vector<64x128xf32>, vector<14x128xf32> -> vector<14x128xf32>
    %get3A_14 = arith.constant 0 : index
    %get3A_15 = arith.constant 0 : index
    %get3A_16 = vector.load %arg2[%get3A_14, %get3A_15] : memref<3x16xf32, #tpu.memory_space<vmem>>, vector<3x16xf32>
    %get3A_17 = arith.constant 128 : index
    %get3A_18 = arith.constant 0 : index
    %get3A_19 = vector.load %arg3[%get3A_17, %get3A_18] : memref<144x128xf32, #tpu.memory_space<vmem>>, vector<16x128xf32>
    %dot_general3A_20 = arith.constant dense<0.000000e+00> : vector<3x128xf32>
    %dot_general3A_21 = tpu.matmul %get3A_16, %get3A_19, %dot_general3A_20 {dimension_numbers = #tpu.dot_dimension_numbers<[1], [0], [0], [1], [0, 0, 1, 1], [], []>, transpose_lhs_hint = false} : vector<3x16xf32>, vector<16x128xf32>, vector<3x128xf32> -> vector<3x128xf32>
    %iota3A = tpu.iota {dimensions = array<i32: 0>} : vector<896x21xi32>
    %iota3A_22 = tpu.iota {dimensions = array<i32: 1>} : vector<896x21xi32>
    %jit3A = arith.constant 42 : i32
    %div3A = vector.broadcast %jit3A : i32 to vector<896x21xi32>
    %div3A_23 = arith.divsi %iota3A, %div3A : vector<896x21xi32>
    %sign3A = arith.constant 0 : i32
    %sign3A_24 = vector.broadcast %sign3A : i32 to vector<896x21xi32>
    %sign3A_25 = arith.cmpi sgt, %iota3A, %sign3A_24 : vector<896x21xi32>
    %sign3A_26 = arith.extui %sign3A_25 : vector<896x21xi1> to vector<896x21xi32>
    %sign3A_27 = arith.constant 0 : i32
    %sign3A_28 = vector.broadcast %sign3A_27 : i32 to vector<896x21xi32>
    %sign3A_29 = arith.cmpi slt, %iota3A, %sign3A_28 : vector<896x21xi32>
    %sign3A_30 = arith.extui %sign3A_29 : vector<896x21xi1> to vector<896x21xi32>
    %sign3A_31 = arith.subi %sign3A_26, %sign3A_30 : vector<896x21xi32>
    %sign3A_32 = arith.constant 0 : i32
    %sign3A_33 = arith.cmpi sgt, %jit3A, %sign3A_32 : i32
    %sign3A_34 = arith.extui %sign3A_33 : i1 to i32
    %sign3A_35 = arith.constant 0 : i32
    %sign3A_36 = arith.cmpi slt, %jit3A, %sign3A_35 : i32
    %sign3A_37 = arith.extui %sign3A_36 : i1 to i32
    %sign3A_38 = arith.subi %sign3A_34, %sign3A_37 : i32
    %ne3A = vector.broadcast %sign3A_38 : i32 to vector<896x21xi32>
    %ne3A_39 = arith.cmpi ne, %sign3A_31, %ne3A : vector<896x21xi32>
    %rem3A = vector.broadcast %jit3A : i32 to vector<896x21xi32>
    %rem3A_40 = arith.remsi %iota3A, %rem3A : vector<896x21xi32>
    %ne3A_41 = arith.constant 0 : i32
    %ne3A_42 = vector.broadcast %ne3A_41 : i32 to vector<896x21xi32>
    %ne3A_43 = arith.cmpi ne, %rem3A_40, %ne3A_42 : vector<896x21xi32>
    %and3A = arith.andi %ne3A_39, %ne3A_43 : vector<896x21xi1>
    %sub3A = arith.constant 1 : i32
    %sub3A_44 = vector.broadcast %sub3A : i32 to vector<896x21xi32>
    %sub3A_45 = arith.subi %div3A_23, %sub3A_44 : vector<896x21xi32>
    %select_n3A = arith.select %and3A, %sub3A_45, %div3A_23 : vector<896x21xi1>, vector<896x21xi32>
    %min3A = arith.constant 20 : i32
    %min3A_46 = vector.broadcast %min3A : i32 to vector<896x21xi32>
    %min3A_47 = arith.minsi %select_n3A, %min3A_46 : vector<896x21xi32>
    %eq3A = arith.cmpi eq, %iota3A_22, %min3A_47 : vector<896x21xi32>
    %convert_element_type3A = arith.extui %eq3A : vector<896x21xi1> to vector<896x21xi32>
    %convert_element_type3A_48 = arith.sitofp %convert_element_type3A : vector<896x21xi32> to vector<896x21xf32>
    %slice3A = vector.extract_strided_slice %iota3A_22 {offsets = [0, 0], sizes = [896, 3], strides = [1, 1]} : vector<896x21xi32> to vector<896x3xi32>
    %slice3A_49 = vector.extract_strided_slice %iota3A {offsets = [0, 0], sizes = [896, 3], strides = [1, 1]} : vector<896x21xi32> to vector<896x3xi32>
    %jit3A_50 = arith.constant 14 : i32
    %div3A_51 = vector.broadcast %jit3A_50 : i32 to vector<896x3xi32>
    %div3A_52 = arith.divsi %slice3A_49, %div3A_51 : vector<896x3xi32>
    %sign3A_53 = arith.constant 0 : i32
    %sign3A_54 = vector.broadcast %sign3A_53 : i32 to vector<896x3xi32>
    %sign3A_55 = arith.cmpi sgt, %slice3A_49, %sign3A_54 : vector<896x3xi32>
    %sign3A_56 = arith.extui %sign3A_55 : vector<896x3xi1> to vector<896x3xi32>
    %sign3A_57 = arith.constant 0 : i32
    %sign3A_58 = vector.broadcast %sign3A_57 : i32 to vector<896x3xi32>
    %sign3A_59 = arith.cmpi slt, %slice3A_49, %sign3A_58 : vector<896x3xi32>
    %sign3A_60 = arith.extui %sign3A_59 : vector<896x3xi1> to vector<896x3xi32>
    %sign3A_61 = arith.subi %sign3A_56, %sign3A_60 : vector<896x3xi32>
    %sign3A_62 = arith.constant 0 : i32
    %sign3A_63 = arith.cmpi sgt, %jit3A_50, %sign3A_62 : i32
    %sign3A_64 = arith.extui %sign3A_63 : i1 to i32
    %sign3A_65 = arith.constant 0 : i32
    %sign3A_66 = arith.cmpi slt, %jit3A_50, %sign3A_65 : i32
    %sign3A_67 = arith.extui %sign3A_66 : i1 to i32
    %sign3A_68 = arith.subi %sign3A_64, %sign3A_67 : i32
    %ne3A_69 = vector.broadcast %sign3A_68 : i32 to vector<896x3xi32>
    %ne3A_70 = arith.cmpi ne, %sign3A_61, %ne3A_69 : vector<896x3xi32>
    %rem3A_71 = vector.broadcast %jit3A_50 : i32 to vector<896x3xi32>
    %rem3A_72 = arith.remsi %slice3A_49, %rem3A_71 : vector<896x3xi32>
    %ne3A_73 = arith.constant 0 : i32
    %ne3A_74 = vector.broadcast %ne3A_73 : i32 to vector<896x3xi32>
    %ne3A_75 = arith.cmpi ne, %rem3A_72, %ne3A_74 : vector<896x3xi32>
    %and3A_76 = arith.andi %ne3A_70, %ne3A_75 : vector<896x3xi1>
    %sub3A_77 = arith.constant 1 : i32
    %sub3A_78 = vector.broadcast %sub3A_77 : i32 to vector<896x3xi32>
    %sub3A_79 = arith.subi %div3A_52, %sub3A_78 : vector<896x3xi32>
    %select_n3A_80 = arith.select %and3A_76, %sub3A_79, %div3A_52 : vector<896x3xi1>, vector<896x3xi32>
    %jit3A_81 = arith.constant 3 : i32
    %eq3A_82 = arith.constant 0 : i32
    %eq3A_83 = arith.cmpi eq, %jit3A_81, %eq3A_82 : i32
    %jit3A_84 = arith.constant 1 : i32
    %select_n3A_85 = arith.select %eq3A_83, %jit3A_84, %jit3A_81 : i32
    %rem3A_86 = vector.broadcast %select_n3A_85 : i32 to vector<896x3xi32>
    %rem3A_87 = arith.remsi %select_n3A_80, %rem3A_86 : vector<896x3xi32>
    %ne3A_88 = arith.constant 0 : i32
    %ne3A_89 = vector.broadcast %ne3A_88 : i32 to vector<896x3xi32>
    %ne3A_90 = arith.cmpi ne, %rem3A_87, %ne3A_89 : vector<896x3xi32>
    %lt3A = arith.constant 0 : i32
    %lt3A_91 = vector.broadcast %lt3A : i32 to vector<896x3xi32>
    %lt3A_92 = arith.cmpi slt, %rem3A_87, %lt3A_91 : vector<896x3xi32>
    %lt3A_93 = arith.constant 0 : i32
    %lt3A_94 = arith.cmpi slt, %select_n3A_85, %lt3A_93 : i32
    %ne3A_95 = vector.broadcast %lt3A_94 : i1 to vector<896x3xi1>
    %ne3A_96 = vector.broadcast %ne3A_95 : vector<896x3xi1> to vector<896x3xi1>
    %ne3A_97 = arith.xori %lt3A_92, %ne3A_96 : vector<896x3xi1>
    %and3A_98 = arith.andi %ne3A_97, %ne3A_90 : vector<896x3xi1>
    %add3A = vector.broadcast %select_n3A_85 : i32 to vector<896x3xi32>
    %add3A_99 = arith.addi %rem3A_87, %add3A : vector<896x3xi32>
    %select_n3A_100 = arith.select %and3A_98, %add3A_99, %rem3A_87 : vector<896x3xi1>, vector<896x3xi32>
    %eq3A_101 = arith.cmpi eq, %slice3A, %select_n3A_100 : vector<896x3xi32>
    %convert_element_type3A_102 = arith.extui %eq3A_101 : vector<896x3xi1> to vector<896x3xi32>
    %convert_element_type3A_103 = arith.sitofp %convert_element_type3A_102 : vector<896x3xi32> to vector<896x3xf32>
    %slice3A_104 = vector.extract_strided_slice %iota3A_22 {offsets = [0, 0], sizes = [896, 14], strides = [1, 1]} : vector<896x21xi32> to vector<896x14xi32>
    %slice3A_105 = vector.extract_strided_slice %iota3A {offsets = [0, 0], sizes = [896, 14], strides = [1, 1]} : vector<896x21xi32> to vector<896x14xi32>
    %jit3A_106 = arith.constant 14 : i32
    %eq3A_107 = arith.constant 0 : i32
    %eq3A_108 = arith.cmpi eq, %jit3A_106, %eq3A_107 : i32
    %jit3A_109 = arith.constant 1 : i32
    %select_n3A_110 = arith.select %eq3A_108, %jit3A_109, %jit3A_106 : i32
    %rem3A_111 = vector.broadcast %select_n3A_110 : i32 to vector<896x14xi32>
    %rem3A_112 = arith.remsi %slice3A_105, %rem3A_111 : vector<896x14xi32>
    %ne3A_113 = arith.constant 0 : i32
    %ne3A_114 = vector.broadcast %ne3A_113 : i32 to vector<896x14xi32>
    %ne3A_115 = arith.cmpi ne, %rem3A_112, %ne3A_114 : vector<896x14xi32>
    %lt3A_116 = arith.constant 0 : i32
    %lt3A_117 = vector.broadcast %lt3A_116 : i32 to vector<896x14xi32>
    %lt3A_118 = arith.cmpi slt, %rem3A_112, %lt3A_117 : vector<896x14xi32>
    %lt3A_119 = arith.constant 0 : i32
    %lt3A_120 = arith.cmpi slt, %select_n3A_110, %lt3A_119 : i32
    %ne3A_121 = vector.broadcast %lt3A_120 : i1 to vector<896x14xi1>
    %ne3A_122 = vector.broadcast %ne3A_121 : vector<896x14xi1> to vector<896x14xi1>
    %ne3A_123 = arith.xori %lt3A_118, %ne3A_122 : vector<896x14xi1>
    %and3A_124 = arith.andi %ne3A_123, %ne3A_115 : vector<896x14xi1>
    %add3A_125 = vector.broadcast %select_n3A_110 : i32 to vector<896x14xi32>
    %add3A_126 = arith.addi %rem3A_112, %add3A_125 : vector<896x14xi32>
    %select_n3A_127 = arith.select %and3A_124, %add3A_126, %rem3A_112 : vector<896x14xi1>, vector<896x14xi32>
    %eq3A_128 = arith.cmpi eq, %slice3A_104, %select_n3A_127 : vector<896x14xi32>
    %convert_element_type3A_129 = arith.extui %eq3A_128 : vector<896x14xi1> to vector<896x14xi32>
    %convert_element_type3A_130 = arith.sitofp %convert_element_type3A_129 : vector<896x14xi32> to vector<896x14xf32>
    %dot_general3A_131 = arith.constant dense<0.000000e+00> : vector<896x128xf32>
    %dot_general3A_132 = tpu.matmul %convert_element_type3A_48, %dot_general3A_5, %dot_general3A_131 {dimension_numbers = #tpu.dot_dimension_numbers<[1], [0], [0], [1], [0, 0, 1, 1], [], []>, transpose_lhs_hint = false} : vector<896x21xf32>, vector<21x128xf32>, vector<896x128xf32> -> vector<896x128xf32>
    %dot_general3A_133 = arith.constant dense<0.000000e+00> : vector<896x128xf32>
    %dot_general3A_134 = tpu.matmul %convert_element_type3A_103, %dot_general3A_21, %dot_general3A_133 {dimension_numbers = #tpu.dot_dimension_numbers<[1], [0], [0], [1], [0, 0, 1, 1], [], []>, transpose_lhs_hint = false} : vector<896x3xf32>, vector<3x128xf32>, vector<896x128xf32> -> vector<896x128xf32>
    %add3A_135 = arith.addf %dot_general3A_132, %dot_general3A_134 : vector<896x128xf32>
    %dot_general3A_136 = arith.constant dense<0.000000e+00> : vector<896x128xf32>
    %dot_general3A_137 = tpu.matmul %convert_element_type3A_130, %dot_general3A_13, %dot_general3A_136 {dimension_numbers = #tpu.dot_dimension_numbers<[1], [0], [0], [1], [0, 0, 1, 1], [], []>, transpose_lhs_hint = false} : vector<896x14xf32>, vector<14x128xf32>, vector<896x128xf32> -> vector<896x128xf32>
    %add3A_138 = arith.addf %add3A_135, %dot_general3A_137 : vector<896x128xf32>
    %get3A_139 = arith.constant 0 : index
    %get3A_140 = vector.load %arg4[%get3A_139] : memref<128xf32, #tpu.memory_space<vmem>>, vector<128xf32>
    %broadcast_in_dim3A = vector.shape_cast %get3A_140 : vector<128xf32> to vector<1x128xf32>
    %add3A_141 = vector.broadcast %broadcast_in_dim3A : vector<1x128xf32> to vector<896x128xf32>
    %add3A_142 = arith.addf %add3A_138, %add3A_141 : vector<896x128xf32>
    %swap3A = arith.constant 0 : index
    %swap3A_143 = arith.constant 0 : index
    %swap3A_144 = vector.load %arg5[%swap3A, %swap3A_143] : memref<896x128xf32, #tpu.memory_space<vmem>>, vector<896x128xf32>
    tpu.vector_store %arg5[%swap3A, %swap3A_143], %add3A_142 {strides = array<i32>} : memref<896x128xf32, #tpu.memory_space<vmem>>, vector<896x128xf32>,
    return
  }
}

</mosaic_0001>

<sc_bundles>
// kernel: kernel.4.cloned.1.call-start
scs
__scs_entry_jumppad:
0x0: {  	(pc) =	sbr.rel $0x88, $3  }
0x1: {  	(tag) =	ssettag $0x0;
	lr =	simm.s32 $0x1  }
0x2: {  	[smem:$0x3F98] =	sst lr;
	_ =	strace $0xD0000000  }
0x3: {  	_ = 	snop  }
0x4: {  	_ = 	snop  }
0x5: {  	_ = 	snop  }
0x6: {  	_ = 	snop  }
0x7: {  	_ = 	snop  }
__scs_overlays_trampoline_lowered:
0x8: {  	[smem:$0x3FA7] =	sst s0  }
0x9: {  	[smem:$0x3FA8] =	sst s1  }
0xa: {  	[smem:$0x3FA9] =	sst s2  }
0xb: {  	[smem:$0x3FAA] =	sst s3  }
0xc: {  	[smem:$0x3FAB] =	sst s4  }
0xd: {  	[smem:$0x3FAC] =	sst s5  }
0xe: {  	[smem:$0x3FAD] =	sst s6  }
0xf: {  	[smem:$0x3FAE] =	sst s7  }
0x10: {  	[smem:$0x3FAF] =	sst s8  }
0x11: {  	[smem:$0x3FB0] =	sst s9;
	s0 =	simm.s32 @!p0 $0x0  }
0x12: {  	s1 =	sld [smem:$0x3F96];
	s0 =	simm.s32 @p0 $0x1  }
0x13: {  	[smem:$0x3FB1] =	sst s0;
	s0 =	simm.s32 @!p1 $0x0  }
0x14: {  	s2 =	sld [smem:$0x3F95];
	s0 =	simm.s32 @p1 $0x1  }
0x15: {  	[smem:$0x3FB2] =	sst s0;
	s0 =	simm.s32 @!p2 $0x0  }
0x16: {  	s3 =	sld [smem:$0x3FDB];
	s0 =	simm.s32 @p2 $0x1  }
0x17: {  	s4 =	simm.s32 $0x1BF5;
	[smem:$0x3FB4] =	sst s0  }
0x18: {  	s0 =	sld [smem:$0x3F97];
	_ =	swait.ge [sflag:s4], $0x0  }
0x19: {  	s7 =	sld [smem:$0x3F98]  }
0x1a: {  	s8 =	sadd.s32 $0xFFFFE003, lr  }
0x1b: {  	s9 =	sadd.s32 $0xFFFFFEF7, lr;
	s5 =	simm.s32 $0xFFFFFFFF;
	p2 =	slt.u32 s8, $0xFFFFF086  }
0x1c: {  	p1 =	slt.u32 s9, $0xF7A;
	s5 =	simm.s32 @!p2 $0x0  }
0x1d: {  	s5 =	simm.s32 @p1 $0x1;
	p0 =	seq.s32 s7, s2  }
0x1e: {  	s7 =	smul.u32 @!p0 $0xF7A, s2;
	p2 =	seq.s32 @!p0 s5, $0x0  }
0x1f: {  	s9 =	smul.u32 $0xF7A, s1;
	s8 =	simm.s32 @!p0 $0x1BF5;
	p2 =	por !p2, p0  }
0x20: {  	[sflag:s8] =	ssyncset.s32 @!p0 $0xFFFFF086;
	s6 =	sadd.s32 @!p0 s3, s7;
	s7 =	simm.s32 @!p0 $0x108  }
0x21: {  	s3 =	sadd.s32 s3, s9;
	s6 =	sadd.s32 @!p0 $0x88, s6;
	s7 =	simm.s32 @p2 $0x1082  }
0x22: {  	[simem:s7], [sflag:s8] =	dma.local @!p0 [hbm:s6], $0xF7A  }
0x23: {  	s9 =	sor.u32 $0xD0000000, s2;
	s6 =	simm.s32 $0x108;
	_ =	swait.ge @!p0 [sflag:s8], $0x0  }
0x24: {  	s3 =	sadd.s32 $0x88, s3;
	s6 =	simm.s32 @!p1 $0x1082;
	[sflag:s4] =	ssyncset.s32 $0xFFFFF086  }
0x25: {  	[simem:s6], [sflag:s4] =	dma.local [hbm:s3], $0xF7A  }
0x26: {  	[smem:$0x3F98] =	sst s1;
	(tag) =	ssettag s2;
	_ =	strace s9  }
0x27: {  	s1 =	sld [smem:$0x3FA8]  }
0x28: {  	s2 =	sld [smem:$0x3FA9]  }
0x29: {  	s4 =	sld [smem:$0x3FAB]  }
0x2a: {  	p0 =	seq.s32 s5, $0x0;
	s5 =	sld [smem:$0x3FAC]  }
0x2b: {  	s6 =	sld [smem:$0x3FAD]  }
0x2c: {  	s7 =	sld [smem:$0x3FAE]  }
0x2d: {  	s3 =	simm.s32 $0x108;
	s8 =	sld [smem:$0x3FAF]  }
0x2e: {  	s3 =	simm.s32 @!p0 $0x1082;
	s9 =	sld [smem:$0x3FB0]  }
0x2f: {  	lr =	sadd.s32 s0, s3;
	s0 =	sld [smem:$0x3FA7]  }
0x30: {  	s3 =	sld [smem:$0x3FAA]  }
0x31: {  	[smem:$0x3FB3] =	sst s10  }
0x32: {  	s10 =	sld [smem:$0x3FB1];
	_ =	sdelay $0x3  }
0x33: {  	p0 =	seq.s32 s10, $0x1;
	s10 =	sld [smem:$0x3FB3];
	_ =	sdelay $0x3  }
0x34: {  	[smem:$0x3FB3] =	sst s10  }
0x35: {  	s10 =	sld [smem:$0x3FB2];
	_ =	sdelay $0x3  }
0x36: {  	p1 =	seq.s32 s10, $0x1;
	s10 =	sld [smem:$0x3FB3];
	_ =	sdelay $0x3  }
0x37: {  	[smem:$0x3FB3] =	sst s10  }
0x38: {  	s10 =	sld [smem:$0x3FB4]  }
0x39: {  	_ = 	snop;
	(pc) =	sbr.ind lr, $3  }
0x3a: {  	_ = 	snop  }
0x3b: {  	_ = 	snop  }
0x3c: {  	p2 =	seq.s32 s10, $0x1;
	s10 =	sld [smem:$0x3FB3]  }
0x3d: {  	_ =	shalt  }
0x3e: {  	_ =	shalt  }
0x3f: {  	_ =	shalt  }
0x40: {  	_ =	shalt  }
0x41: {  	_ =	shalt  }
0x42: {  	_ =	shalt  }
0x43: {  	_ =	shalt  }
0x44: {  	_ =	shalt  }
0x45: {  	_ =	shalt  }
0x46: {  	_ =	shalt  }
0x47: {  	_ =	shalt  }
0x48: {  	_ =	shalt  }
0x49: {  	_ =	shalt  }
0x4a: {  	_ =	shalt  }
0x4b: {  	_ =	shalt  }
0x4c: {  	_ =	shalt  }
0x4d: {  	_ =	shalt  }
0x4e: {  	_ =	shalt  }
0x4f: {  	_ =	shalt  }
0x50: {  	_ =	shalt  }
0x51: {  	_ =	shalt  }
0x52: {  	_ =	shalt  }
0x53: {  	_ =	shalt  }
0x54: {  	_ =	shalt  }
0x55: {  	_ =	shalt  }
0x56: {  	_ =	shalt  }
0x57: {  	_ =	shalt  }
0x58: {  	_ =	shalt  }
0x59: {  	_ =	shalt  }
0x5a: {  	_ =	shalt  }
0x5b: {  	_ =	shalt  }
0x5c: {  	_ =	shalt  }
0x5d: {  	_ =	shalt  }
0x5e: {  	_ =	shalt  }
0x5f: {  	_ =	shalt  }
0x60: {  	_ =	shalt  }
0x61: {  	_ =	shalt  }
0x62: {  	_ =	shalt  }
0x63: {  	_ =	shalt  }
0x64: {  	_ =	shalt  }
0x65: {  	_ =	shalt  }
0x66: {  	_ =	shalt  }
0x67: {  	_ =	shalt  }
0x68: {  	_ =	shalt  }
0x69: {  	_ =	shalt  }
0x6a: {  	_ =	shalt  }
0x6b: {  	_ =	shalt  }
0x6c: {  	_ =	shalt  }
0x6d: {  	_ =	shalt  }
0x6e: {  	_ =	shalt  }
0x6f: {  	_ =	shalt  }
0x70: {  	_ =	shalt  }
0x71: {  	_ =	shalt  }
0x72: {  	_ =	shalt  }
0x73: {  	_ =	shalt  }
0x74: {  	_ =	shalt  }
0x75: {  	_ =	shalt  }
0x76: {  	_ =	shalt  }
0x77: {  	_ =	shalt  }
0x78: {  	_ =	shalt  }
0x79: {  	_ =	shalt  }
0x7a: {  	_ =	shalt  }
0x7b: {  	_ =	shalt  }
0x7c: {  	_ =	shalt  }
0x7d: {  	_ =	shalt  }
0x7e: {  	_ =	shalt  }
0x7f: {  	_ =	shalt  }
0x80: {  	_ =	shalt  }
0x81: {  	_ =	shalt  }
0x82: {  	_ =	shalt  }
0x83: {  	_ =	shalt  }
0x84: {  	_ =	shalt  }
0x85: {  	_ =	shalt  }
0x86: {  	_ =	shalt  }
0x87: {  	_ =	shalt  }
.Lfunc_end0:
.L_simem_size_0:
called_computation_lowered:
.L_overlay_start_0:
0x88: {  	s2 =	sld [smem:$0x3FD9]  }
0x89: {  	s3 =	sld [smem:$0x3FFE];
	_ =	sdelay $0x1  }
0x8a: {  	s1 =	srdreg.scid  }
0x8b: {  	s0 =	sand.u32 $0x1, s1  }
0x8c: {  	s15 =	sshll.u32 s0, $0xA;
	s2 =	sadd.s32 s3, s2  }
0x8d: {  	s3 =	sadd.s32 s2, s15  }
0x8e: {  	[smem:$0x3FBF] =	sst s3  }
0x8f: {  	_ = 	snop  }
0x90: {  	s3 =	sld [smem:$0x3FD0];
	_ =	sdelay $0x2  }
0x91: {  	s4 =	simm.s32 $0xA;
	s5 =	simm.s32 $0x10  }
0x92: {  	[smem:s5], [sflag:s4] =	dma.local [hbm:s3], $0x1  }
0x93: {  	_ =	swait.eq [sflag:s4], $0x1  }
0x94: {  	[sflag:s4] =	ssyncset.done $0x0  }
0x95: {  	[sflag:s4] =	ssyncadd.s32 $0xFFFFFFFF  }
0x96: {  	s16 =	sld [smem:$0x10];
	(tm) =	ssettm $0x1  }
0x97: {  	s17 =	sld [smem:$0x3FFB];
	_ =	sdelay $0x3  }
0x98: {  	_ =	strace s17  }
0x99: {  	s4 =	sld [smem:$0x3FFC];
	_ =	sdelay $0x3  }
0x9a: {  	_ =	strace s4  }
0x9b: {  	s4 =	sld [smem:$0x3FFD];
	_ =	sdelay $0x3  }
0x9c: {  	_ =	strace s4  }
0x9d: {  	_ =	strace $0x8FFFFFFF  }
0x9e: {  	s18 =	sld [smem:$0x3FDB];
	_ =	sdelay $0x1  }
0x9f: {  	s19 =	simm.s32 $_scs_section_size  }
0xa0: {  	s6 =	simm.s32 $_size__tile_overlayer_lowered;
	s7 =	simm.s32 $_tile_overlayer_lowered  }
0xa1: {  	s22 =	simm.s32 $0x1BFF;
	s21 =	sshll.u32 s7, $0x1;
	s4 =	sadd.s32 s19, s18  }
0xa2: {  	s8 =	simm.s32 $0x0;
	s20 =	sshll.u32 s6, $0x1;
	s6 =	sadd.s32 s21, s4  }
0xa3: {  	[timem:s8], [sflag:s22] =	dma.local [hbm:s6], s20  }
0xa4: {  	_ =	swait.ge [sflag:s22], s20  }
0xa5: {  	s5 =	ssub.s32 $0x0, s20;
	[sflag:s22] =	ssyncset.done $0x0  }
0xa6: {  	[sflag:s22] =	ssyncadd.s32 s5;
	_ =	sdelay $0x1  }
0xa7: {  	s23 =	simm.s32 $0x1B8B  }
0xa8: {  	_ =	swait.ge [sflag:s23], $0x1  }
0xa9: {  	[sflag:s23] =	ssyncset.done $0x0  }
0xaa: {  	s25 =	simm.s32 $0x1B8E;
	s24 =	sld [smem:$0x3FFE];
	[sflag:s23] =	ssyncadd.s32 $0xFFFFFFFF  }
0xab: {  	s26 =	simm.s32 $execute0_lowered;
	[smem:$0x3FD2] =	sst s25  }
0xac: {  	s6 =	sshll.u32 s26, $0x1;
	_ =	strace $0x80000046;
	[dreg:$0x1] =	wrdreg $0xFFFFFFFF  }
0xad: {  	s28 =	simm.s32 $_size_execute0_lowered;
	s4 =	sadd.s32 s4, s6;
	[dreg:$0x0] =	wrdreg $0x0  }
0xae: {  	s6 =	sshll.u32 s28, $0x1;
	[dreg:$0x2] =	wrdreg s4  }
0xaf: {  	[dreg:$0x3] =	wrdreg s6  }
0xb0: {  	[dreg:$0x4] =	wrdreg $0xC0  }
0xb1: {  	_ =	task [dreg:s8], $0x5FFFF  }
0xb2: {  	[dreg:$0x1] =	wrdreg $0xFFFFFFFF  }
0xb3: {  	[dreg:$0x0] =	wrdreg $0x60  }
0xb4: {  	[dreg:$0x2] =	wrdreg s24  }
0xb5: {  	s2 =	sadd.s32 $0x800, s2;
	[dreg:$0x3] =	wrdreg s16  }
0xb6: {  	[dreg:$0x4] =	wrdreg s2  }
0xb7: {  	[dreg:$0x5] =	wrdreg $0x9  }
0xb8: {  	_ =	task.clear_ibuf [dreg:s8], $0x6FFFF;
	_ =	strace $0x90000046  }
0xb9: {  	s29 =	simm.s32 $0x9;
	_ =	strace $0x80000048  }
0xba: {  	_ =	swait.ge [sflag:s29], $0x1  }
0xbb: {  	[sflag:s29] =	ssyncadd.s32 $0xFFFFFFFF  }
0xbc: {  	_ =	strace $0x90000048  }
0xbd: {  	_ =	sfence  }
0xbe: {  	s30 =	sld [smem:$0x0];
	_ =	sdelay $0x2  }
0xbf: {  	s31 =	sshll.u32 s1, $0xD;
	s1 =	sshrl.u32 s1, $0x2  }
0xc0: {  	s3 =	sand.u32 $0x4000, s31;
	s1 =	sadd.s32 s1, s30  }
0xc1: {  	s0 =	sor.u32 s3, s0;
	s1 =	sshll.u32 s1, $0x11  }
0xc2: {  	s0 =	sor.u32 s1, s0  }
0xc3: {  	s0 =	sadd.s32 $0x8F2B, s0  }
0xc4: {  	[sflag:s0] =	ssyncadd.remote.s32 $0x1  }
0xc5: {  	_ =	sfence.sel $0xFFFF  }
0xc6: {  	[dreg:$0x0] =	wrdreg $0xFFFFFFFF;
	(pc) =	sbr.abs _section_cstart, $3  }
0xc7: {  	[dreg:$0x1] =	wrdreg $0xFFFFFFFF  }
0xc8: {  	_ =	task.clear_ibuf [dreg:s8], $0x2FFFF;
	_ =	strace $0x9FFFFFFF  }
0xc9: {  	(tm) =	ssettm $0x7FFFFFFF  }
tec
execute0_lowered:
.L_overlay_start_1:
0x0: {  	(tag) =	ssettag $0x1  }
0x1: {  	s0 =	rddreg [dreg:$0x0]  }
0x2: {  	s1 =	srdreg.scid;
	s3 =	rddreg [dreg:$0x1]  }
0x3: {  	s7 =	stileid.u32;
	s2 =	simm.s32 $0x0;
	s28 =	simm.s32 $0x4000  }
0x4: {  	s29 =	simm.s32 $0xB000;
	s30 =	simm.s32 $0x12000;
	s31 =	simm.s32 $0x19000  }
0x5: {  	s11 =	simm.s32 $0x7;
	s8 =	sand.u32 $0x1, s1;
	s1 =	rddreg [dreg:$0x2]  }
0x6: {  	s4 =	sshll.u32 s7, $0xB;
	[smem:$0x7FF] =	sst s2;
	s9 =	sadd.s32 $0x3A00, s0  }
0x7: {  	s15 =	sadd.s32 $0x4100, s0;
	_ =	strace $0x80000047;
	[dreg:$0x4] =	wrdreg s9  }
0x8: {  	s16 =	sadd.s32 $0x4800, s0;
	s17 =	sadd.s32 $0x4F00, s0;
	[dreg:$0x5] =	wrdreg s15  }
0x9: {  	s18 =	smul.u32 $0x70000, s7;
	s10 =	sadd.s32 $0x5600, s0;
	[dreg:$0x6] =	wrdreg s16  }
0xa: {  	s19 =	sadd.s32 $0x5D00, s0;
	s20 =	sadd.s32 $0x6400, s0;
	[dreg:$0x7] =	wrdreg s17  }
0xb: {  	p0 =	sne.s32 s7, $0x0;
	s7 =	simm.s32 $0x3;
	[dreg:$0x8] =	wrdreg s10  }
0xc: {  	s5 =	sshll.u32 s8, $0xA;
	s12 =	ssub.s32 $0x2, s8;
	[dreg:$0x9] =	wrdreg s19  }
0xd: {  	s8 =	smul.u32 $0x38000, s8;
	[dreg:$0xa] =	wrdreg s20;
	s15 =	simm.s32 $0x9  }
0xe: {  	s16 =	simm.s32 $0x700;
	s17 =	simm.s32 $0x800;
	s22 =	sadd.s32 $0x800, s1  }
0xf: {  	s23 =	sadd.s32 $0x1000, s1;
	s24 =	sadd.s32 $0x1800, s1;
	[dreg:$0xc] =	wrdreg s22  }
0x10: {  	s25 =	sadd.s32 $0x2000, s1;
	s26 =	sadd.s32 $0x2800, s1;
	[dreg:$0xd] =	wrdreg s23  }
0x11: {  	s9 =	simm.s32 $0x5;
	s10 =	simm.s32 $0x6;
	[dreg:$0xe] =	wrdreg s24  }
0x12: {  	s4 =	sor.u32 s5, s4;
	s13 =	sshrl.u32 s12, $0x1;
	[dreg:$0xf] =	wrdreg s25  }
0x13: {  	s21 =	sadd.s32 s18, s3;
	[dreg:$0x10] =	wrdreg s26;
	s23 =	sadd.s32 $0x3000, s1  }
0x14: {  	s24 =	sadd.s32 $0x3800, s1;
	s25 =	simm.s32 $0x3800;
	s26 =	simm.s32 $0x3C00  }
.Ltmp0:
0x15: {  	s3 =	simm.s32 $0x2;
	s4 =	sshrl.u32 s4, $0x3;
	(pc) =	sbr.rel .LBB2_1-.Ltmp0, $4  }
0x16: {  	s14 =	ssub.s32 s12, s13;
	s12 =	simm.s32 $0x8;
	s6 =	sadd.s32 s4, s0  }
0x17: {  	s13 =	simm.s32 $0x0;
	s0 =	sadd.s32 $0x6B00, s0;
	s4 =	sadd.s32 $0x1A00, s6  }
0x18: {  	s5 =	sadd.s32 $0x2A00, s6;
	s6 =	smax.u32 s14, $0x1;
	[dreg:$0xb] =	wrdreg s0  }
0x19: {  	v0 =	vlaneseq.u32;
	vm0 =	vmmov $0xffff;
	s14 =	sadd.s32 s8, s21;
	s0 =	simm.s32 $0x1;
	s8 =	simm.s32 $0x4  }
.LBB2_8:
0x1a: {  	_ =	swait.ge [sflag:s9], $0x7000  }
0x1b: {  	[sflag:s9] =	ssyncset.done $0x0  }
0x1c: {  	[sflag:s9] =	ssyncadd.s32 $0xFFFF9000  }
0x1d: {  	_ =	swait.ge [sflag:s10], $0x7000  }
0x1e: {  	[sflag:s10] =	ssyncset.done $0x0  }
0x1f: {  	s13 =	sadd.s32 $0x1, s13;
	[sflag:s10] =	ssyncadd.s32 $0xFFFF9000  }
0x20: {  	p1 =	sne.s32 s13, s6;
	_ =	swait.ge [sflag:s11], $0x7000  }
.Ltmp1:
0x21: {  	[sflag:s11] =	ssyncset.done $0x0;
	(pc) =	sbr.rel @!p1 .LBB2_9-.Ltmp1, $4  }
0x22: {  	[sflag:s11] =	ssyncadd.s32 $0xFFFF9000  }
0x23: {  	_ =	swait.ge [sflag:s12], $0x7000  }
0x24: {  	[sflag:s12] =	ssyncset.done $0x0  }
0x25: {  	[sflag:s12] =	ssyncadd.s32 $0xFFFF9000  }
.LBB2_1:
.Ltmp2:
0x26: {  	(pc) =	sbr.rel @p0 .LBB2_3-.Ltmp2, $1  }
0x27: {  	_ =	sdelay $0x3  }
0x28: {  	s18 =	rddreg [dreg:$0x4]  }
0x29: {  	[tilespmem:s2], [sflag:$0x9] =	stream.linear.gather [hbm4b:s18+s2], $0x3800, $0x38;
	v63 =	vld [tilespmem:$0x0]  }
0x2a: {  	_ =	swait.ge [sflag:s15], $0x3800  }
0x2b: {  	[sflag:s15] =	ssyncset.done $0x0  }
0x2c: {  	[sflag:s15] =	ssyncadd.s32 $0xFFFFC800  }
0x2d: {  	[hbm4b:s1+s16] =	stream.strided.scatter [tilespmem:s2], [sflag:$0x9], $0x3800, s17, s16, $0x38;
	v63 =	vld [tilespmem:$0x0]  }
0x2e: {  	_ =	swait.ge [sflag:s15], $0x3800  }
0x2f: {  	[sflag:s15] =	ssyncset.done $0x0  }
0x30: {  	s19 =	rddreg [dreg:$0x5];
	[sflag:s15] =	ssyncadd.s32 $0xFFFFC800  }
0x31: {  	[tilespmem:s2], [sflag:$0x9] =	stream.linear.gather [hbm4b:s19+s2], $0x3800, $0x38;
	v63 =	vld [tilespmem:$0x0]  }
0x32: {  	_ =	swait.ge [sflag:s15], $0x3800  }
0x33: {  	[sflag:s15] =	ssyncset.done $0x0  }
0x34: {  	s20 =	rddreg [dreg:$0xc];
	[sflag:s15] =	ssyncadd.s32 $0xFFFFC800  }
0x35: {  	[hbm4b:s20+s16] =	stream.strided.scatter [tilespmem:s2], [sflag:$0x9], $0x3800, s17, s16, $0x38;
	v63 =	vld [tilespmem:$0x0]  }
0x36: {  	_ =	swait.ge [sflag:s15], $0x3800  }
0x37: {  	[sflag:s15] =	ssyncset.done $0x0  }
0x38: {  	s21 =	rddreg [dreg:$0x6];
	[sflag:s15] =	ssyncadd.s32 $0xFFFFC800  }
0x39: {  	[tilespmem:s2], [sflag:$0x9] =	stream.linear.gather [hbm4b:s21+s2], $0x3800, $0x38;
	v63 =	vld [tilespmem:$0x0]  }
0x3a: {  	_ =	swait.ge [sflag:s15], $0x3800  }
0x3b: {  	[sflag:s15] =	ssyncset.done $0x0  }
0x3c: {  	s22 =	rddreg [dreg:$0xd];
	[sflag:s15] =	ssyncadd.s32 $0xFFFFC800  }
0x3d: {  	[hbm4b:s22+s16] =	stream.strided.scatter [tilespmem:s2], [sflag:$0x9], $0x3800, s17, s16, $0x38;
	v63 =	vld [tilespmem:$0x0]  }
0x3e: {  	_ =	swait.ge [sflag:s15], $0x3800  }
0x3f: {  	[sflag:s15] =	ssyncset.done $0x0  }
0x40: {  	s19 =	rddreg [dreg:$0x7];
	[sflag:s15] =	ssyncadd.s32 $0xFFFFC800  }
0x41: {  	[tilespmem:s2], [sflag:$0x9] =	stream.linear.gather [hbm4b:s19+s2], $0x3800, $0x38;
	v63 =	vld [tilespmem:$0x0]  }
0x42: {  	_ =	swait.ge [sflag:s15], $0x3800  }
0x43: {  	[sflag:s15] =	ssyncset.done $0x0  }
0x44: {  	s20 =	rddreg [dreg:$0xe];
	[sflag:s15] =	ssyncadd.s32 $0xFFFFC800  }
0x45: {  	[hbm4b:s20+s16] =	stream.strided.scatter [tilespmem:s2], [sflag:$0x9], $0x3800, s17, s16, $0x38;
	v63 =	vld [tilespmem:$0x0]  }
0x46: {  	_ =	swait.ge [sflag:s15], $0x3800  }
0x47: {  	[sflag:s15] =	ssyncset.done $0x0  }
0x48: {  	s21 =	rddreg [dreg:$0x8];
	[sflag:s15] =	ssyncadd.s32 $0xFFFFC800  }
0x49: {  	[tilespmem:s2], [sflag:$0x9] =	stream.linear.gather [hbm4b:s21+s2], $0x3800, $0x38;
	v63 =	vld [tilespmem:$0x0]  }
0x4a: {  	_ =	swait.ge [sflag:s15], $0x3800  }
0x4b: {  	[sflag:s15] =	ssyncset.done $0x0  }
0x4c: {  	s22 =	rddreg [dreg:$0xf];
	[sflag:s15] =	ssyncadd.s32 $0xFFFFC800  }
0x4d: {  	[hbm4b:s22+s16] =	stream.strided.scatter [tilespmem:s2], [sflag:$0x9], $0x3800, s17, s16, $0x38;
	v63 =	vld [tilespmem:$0x0]  }
0x4e: {  	_ =	swait.ge [sflag:s15], $0x3800  }
0x4f: {  	[sflag:s15] =	ssyncset.done $0x0  }
0x50: {  	s19 =	rddreg [dreg:$0x9];
	[sflag:s15] =	ssyncadd.s32 $0xFFFFC800  }
0x51: {  	[tilespmem:s2], [sflag:$0x9] =	stream.linear.gather [hbm4b:s19+s2], $0x3800, $0x38;
	v63 =	vld [tilespmem:$0x0]  }
0x52: {  	_ =	swait.ge [sflag:s15], $0x3800  }
0x53: {  	[sflag:s15] =	ssyncset.done $0x0  }
0x54: {  	s20 =	rddreg [dreg:$0x10];
	[sflag:s15] =	ssyncadd.s32 $0xFFFFC800  }
0x55: {  	[hbm4b:s20+s16] =	stream.strided.scatter [tilespmem:s2], [sflag:$0x9], $0x3800, s17, s16, $0x38;
	v63 =	vld [tilespmem:$0x0]  }
0x56: {  	_ =	swait.ge [sflag:s15], $0x3800  }
0x57: {  	[sflag:s15] =	ssyncset.done $0x0  }
0x58: {  	s21 =	rddreg [dreg:$0xa];
	[sflag:s15] =	ssyncadd.s32 $0xFFFFC800  }
0x59: {  	[tilespmem:s2], [sflag:$0x9] =	stream.linear.gather [hbm4b:s21+s2], $0x3800, $0x38;
	v63 =	vld [tilespmem:$0x0]  }
0x5a: {  	_ =	swait.ge [sflag:s15], $0x3800  }
0x5b: {  	[sflag:s15] =	ssyncset.done $0x0  }
0x5c: {  	[sflag:s15] =	ssyncadd.s32 $0xFFFFC800  }
0x5d: {  	[hbm4b:s23+s16] =	stream.strided.scatter [tilespmem:s2], [sflag:$0x9], $0x3800, s17, s16, $0x38;
	v63 =	vld [tilespmem:$0x0]  }
0x5e: {  	_ =	swait.ge [sflag:s15], $0x3800  }
0x5f: {  	[sflag:s15] =	ssyncset.done $0x0  }
0x60: {  	s22 =	rddreg [dreg:$0xb];
	[sflag:s15] =	ssyncadd.s32 $0xFFFFC800  }
0x61: {  	[tilespmem:s2], [sflag:$0x9] =	stream.linear.gather [hbm4b:s22+s2], $0x3800, $0x38;
	v63 =	vld [tilespmem:$0x0]  }
0x62: {  	_ =	swait.ge [sflag:s15], $0x3800  }
0x63: {  	[sflag:s15] =	ssyncset.done $0x0  }
0x64: {  	[sflag:s15] =	ssyncadd.s32 $0xFFFFC800  }
0x65: {  	[hbm4b:s24+s16] =	stream.strided.scatter [tilespmem:s2], [sflag:$0x9], $0x3800, s17, s16, $0x38;
	v63 =	vld [tilespmem:$0x0]  }
0x66: {  	_ =	swait.ge [sflag:s15], $0x3800  }
0x67: {  	[sflag:s15] =	ssyncset.done $0x0  }
0x68: {  	[sflag:s15] =	ssyncadd.s32 $0xFFFFC800  }
.LBB2_3:
0x69: {  	[bflag:$0x0] =	sbarrier.arrive $0xFFFF;
	s18 =	simm.s32 $0x0  }
0x6a: {  	[tilespmem:s25], [sflag:$0x9] =	stream.linear.gather [hbm4b:s4+s18], $0x400, $0x38;
	v63 =	vld [tilespmem:$0x0]  }
0x6b: {  	_ =	swait.ge [sflag:s15], $0x400  }
0x6c: {  	[sflag:s15] =	ssyncset.done $0x0  }
0x6d: {  	[sflag:s15] =	ssyncadd.s32 $0xFFFFFC00  }
0x6e: {  	[tilespmem:s26], [sflag:$0x9] =	stream.linear.gather [hbm4b:s5+s18], $0x400, $0x38;
	v63 =	vld [tilespmem:$0x0]  }
0x6f: {  	_ =	swait.ge [sflag:s15], $0x400  }
0x70: {  	[sflag:s15] =	ssyncset.done $0x0  }
0x71: {  	s18 =	simm.s32 $0x0;
	[sflag:s15] =	ssyncadd.s32 $0xFFFFFC00  }
0x72: {  	v2 =	vld [tilespmem:s18+$0x3800];
	_ =	sdelay $0x1  }
0x73: {  	v1 =	vld [tilespmem:s18+$0x3C00];
	_ =	sdelay $0x2  }
0x74: {  	v2 =	vmul.u32 $0x3, v2  }
0x75: {  	s19 =	simm.s32 $0x10;
	s20 =	simm.s32 $0x80  }
.LBB2_4:
0x76: {  	p1 =	sne.s32 s20, $0xFC0;
	v3 =	vld [tilespmem:s19+$0x3800];
	v1 =	vadd.s32 v1, v2  }
0x77: {  	[tilespmem:s18+$0x3C00] =	vst v1;
	s18 =	smov.u32 s19  }
.Ltmp3:
0x78: {  	v1 =	vld [tilespmem:s18+$0x3C00];
	(pc) =	sbr.rel @p1 .LBB2_4-.Ltmp3, $3  }
0x79: {  	_ =	sdelay $0x1  }
0x7a: {  	v2 =	vmul.u32 $0x3, v3  }
0x7b: {  	s19 =	sshra.s32 s20, $0x2;
	s20 =	sadd.s32 $0x40, s20  }
0x7c: {  	v3 =	vld [tilespmem:s19+$0x3800];
	v1 =	vadd.s32 v1, v2  }
0x7d: {  	[tilespmem:s18+$0x3C00] =	vst v1  }
0x7e: {  	v1 =	vld [tilespmem:s19+$0x3C00];
	_ =	sdelay $0x2  }
0x7f: {  	v2 =	vmul.u32 $0x3, v3;
	_ =	sdelay $0x1  }
0x80: {  	v1 =	vadd.s32 v1, v2  }
0x81: {  	[tilespmem:s19+$0x3C00] =	vst v1  }
0x82: {  	v1 =	vld [tilespmem:$0x3C00];
	_ =	sdelay $0x4  }
0x83: {  	v1 =	vshll.u32 v1, $0xB  }
0x84: {  	v1 =	vperm.xlane v1, v0;
	_ =	sdelay $0x4  }
0x85: {  	s18 =	simm.s32 $0x0  }
0x86: {  	[tilespmem:s28], [sflag:$0x1] =	stream.indirect_vreg.gather [hbm4b:s1+s18], $0x700, v1, vm0, $0x38;
	v63 =	vld [tilespmem:$0x0]  }
0x87: {  	v1 =	vld [tilespmem:$0x3C10];
	_ =	sdelay $0x4  }
0x88: {  	v1 =	vshll.u32 v1, $0xB  }
0x89: {  	v1 =	vperm.xlane v1, v0;
	_ =	sdelay $0x5  }
0x8a: {  	[tilespmem:s29], [sflag:$0x2] =	stream.indirect_vreg.gather [hbm4b:s1+s18], $0x700, v1, vm0, $0x38;
	v63 =	vld [tilespmem:$0x0]  }
0x8b: {  	v1 =	vld [tilespmem:$0x3C20];
	_ =	sdelay $0x4  }
0x8c: {  	v1 =	vshll.u32 v1, $0xB  }
0x8d: {  	v1 =	vperm.xlane v1, v0;
	_ =	sdelay $0x5  }
0x8e: {  	[tilespmem:s30], [sflag:$0x3] =	stream.indirect_vreg.gather [hbm4b:s1+s18], $0x700, v1, vm0, $0x38;
	v63 =	vld [tilespmem:$0x0]  }
0x8f: {  	v1 =	vld [tilespmem:$0x3C30];
	_ =	sdelay $0x4  }
0x90: {  	v1 =	vshll.u32 v1, $0xB  }
0x91: {  	v1 =	vperm.xlane v1, v0;
	_ =	sdelay $0x4  }
0x92: {  	s19 =	simm.s32 $0x3C70  }
0x93: {  	[tilespmem:s31], [sflag:$0x4] =	stream.indirect_vreg.gather [hbm4b:s1+s18], $0x700, v1, vm0, $0x38;
	v63 =	vld [tilespmem:$0x0]  }
.LBB2_6:
0x94: {  	_ =	swait.ge [sflag:s0], $0x7000  }
0x95: {  	p1 =	seq.s32 s18, $0x34800;
	[sflag:s0] =	ssyncset.done $0x0  }
0x96: {  	s20 =	sadd.s32 s18, s14;
	s21 =	simm.s32 @!p1 $0x5;
	[sflag:s0] =	ssyncadd.s32 $0xFFFF9000  }
0x97: {  	[hbm4b:s20+s2] =	stream.linear.scatter [tilespmem:s28], [sflag:$0x5], $0x7000, $0x38;
	v63 =	vld [tilespmem:$0x0]  }
0x98: {  	_ =	swait.ge @!p1 [sflag:s21], $0x7000  }
0x99: {  	[sflag:s21] =	ssyncset.done @!p1 $0x0  }
0x9a: {  	[sflag:s21] =	ssyncadd.s32 @!p1 $0xFFFF9000  }
0x9b: {  	v1 =	vld @!p1 [tilespmem:s19+$0xFFFFFFD0];
	_ =	sdelay $0x4  }
0x9c: {  	v2 =	vlaneseq.u32 @!p1;
	v1 =	vshll.u32 @!p1 v1, $0xB  }
0x9d: {  	v1 =	vperm.xlane @!p1 v1, v2;
	_ =	sdelay $0x4  }
0x9e: {  	vm1 =	vmmov @!p1 $0xffff;
	s22 =	simm.s32 @!p1 $0x4000;
	s21 =	simm.s32 @!p1 $0x0  }
0x9f: {  	[tilespmem:s22], [sflag:$0x1] =	stream.indirect_vreg.gather @!p1 [hbm4b:s1+s21], $0x700, v1, vm1, $0x38;
	v63 =	vld [tilespmem:$0x0]  }
0xa0: {  	_ =	swait.ge [sflag:s3], $0x7000  }
0xa1: {  	[sflag:s3] =	ssyncset.done $0x0  }
0xa2: {  	s22 =	sadd.s32 $0xE00, s20;
	[sflag:s3] =	ssyncadd.s32 $0xFFFF9000  }
0xa3: {  	[hbm4b:s22+s2] =	stream.linear.scatter [tilespmem:s29], [sflag:$0x6], $0x7000, $0x38;
	v63 =	vld [tilespmem:$0x0]  }
0xa4: {  	s22 =	simm.s32 @!p1 $0x6  }
0xa5: {  	_ =	swait.ge @!p1 [sflag:s22], $0x7000  }
0xa6: {  	[sflag:s22] =	ssyncset.done @!p1 $0x0  }
0xa7: {  	[sflag:s22] =	ssyncadd.s32 @!p1 $0xFFFF9000  }
0xa8: {  	v1 =	vld @!p1 [tilespmem:s19+$0xFFFFFFE0];
	_ =	sdelay $0x4  }
0xa9: {  	v1 =	vshll.u32 @!p1 v1, $0xB  }
0xaa: {  	v1 =	vperm.xlane @!p1 v1, v2;
	_ =	sdelay $0x4  }
0xab: {  	s22 =	simm.s32 @!p1 $0xB000  }
0xac: {  	[tilespmem:s22], [sflag:$0x2] =	stream.indirect_vreg.gather @!p1 [hbm4b:s1+s21], $0x700, v1, vm1, $0x38;
	v63 =	vld [tilespmem:$0x0]  }
0xad: {  	_ =	swait.ge [sflag:s7], $0x7000  }
0xae: {  	[sflag:s7] =	ssyncset.done $0x0  }
0xaf: {  	s22 =	sadd.s32 $0x1C00, s20;
	[sflag:s7] =	ssyncadd.s32 $0xFFFF9000  }
0xb0: {  	[hbm4b:s22+s2] =	stream.linear.scatter [tilespmem:s30], [sflag:$0x7], $0x7000, $0x38;
	v63 =	vld [tilespmem:$0x0]  }
0xb1: {  	s22 =	simm.s32 @!p1 $0x7  }
0xb2: {  	_ =	swait.ge @!p1 [sflag:s22], $0x7000  }
0xb3: {  	[sflag:s22] =	ssyncset.done @!p1 $0x0  }
0xb4: {  	[sflag:s22] =	ssyncadd.s32 @!p1 $0xFFFF9000  }
0xb5: {  	v1 =	vld @!p1 [tilespmem:s19+$0xFFFFFFF0];
	_ =	sdelay $0x4  }
0xb6: {  	v1 =	vshll.u32 @!p1 v1, $0xB  }
0xb7: {  	v1 =	vperm.xlane @!p1 v1, v2;
	_ =	sdelay $0x4  }
0xb8: {  	s22 =	simm.s32 @!p1 $0x12000  }
0xb9: {  	[tilespmem:s22], [sflag:$0x3] =	stream.indirect_vreg.gather @!p1 [hbm4b:s1+s21], $0x700, v1, vm1, $0x38;
	v63 =	vld [tilespmem:$0x0]  }
.Ltmp4:
0xba: {  	_ = 	snop;
	(pc) =	sbr.rel @p1 .LBB2_8-.Ltmp4, $4  }
0xbb: {  	_ =	swait.ge [sflag:s8], $0x7000  }
0xbc: {  	[sflag:s8] =	ssyncset.done $0x0  }
0xbd: {  	s20 =	sadd.s32 $0x2A00, s20;
	[sflag:s8] =	ssyncadd.s32 $0xFFFF9000  }
0xbe: {  	[hbm4b:s20+s2] =	stream.linear.scatter [tilespmem:s31], [sflag:$0x8], $0x7000, $0x38;
	v63 =	vld [tilespmem:$0x0]  }
0xbf: {  	_ =	swait.ge [sflag:s12], $0x7000  }
0xc0: {  	[sflag:s12] =	ssyncset.done $0x0  }
0xc1: {  	[sflag:s12] =	ssyncadd.s32 $0xFFFF9000  }
0xc2: {  	v1 =	vld [tilespmem:s19+$0x0];
	_ =	sdelay $0x4  }
0xc3: {  	v1 =	vshll.u32 v1, $0xB  }
0xc4: {  	v1 =	vperm.xlane v1, v0;
	_ =	sdelay $0x1  }
.Ltmp5:
0xc5: {  	_ = 	snop;
	(pc) =	sbr.rel .LBB2_6-.Ltmp5, $3  }
0xc6: {  	_ =	sdelay $0x1  }
0xc7: {  	s18 =	sadd.s32 $0x3800, s18;
	s19 =	sadd.s32 $0x40, s19  }
0xc8: {  	[tilespmem:s31], [sflag:$0x4] =	stream.indirect_vreg.gather [hbm4b:s1+s2], $0x700, v1, vm0, $0x38;
	v63 =	vld [tilespmem:$0x0]  }
.LBB2_9:
0xc9: {  	_ =	sfence.sel $0x180000  }
0xca: {  	[bflag:$0x0] =	sbarrier.arrive $0xFFFF  }
0xcb: {  	_ =	strace $0x90000047  }
0xcc: {  	[bflag:$0x2] =	sbarrier.arrive $0xFFFF  }
0xcd: {  	s0 =	rddreg [dreg:$0x3]  }
0xce: {  	s0 =	sadd.s32 @!p0 $0x100000, s0  }
0xcf: {  	[sflag:s0] =	ssyncadd.tile.s32 @!p0 $0x1;
	_ =	shalt  }
.Lfunc_end2:
_tile_overlayer_lowered:
.L_overlay_start_2:
0xd0: {  	(tag) =	ssettag $0x2  }
0xd1: {  	s0 =	rddreg [dreg:$0x0];
	s2 =	stileid.u32  }
0xd2: {  	s1 =	rddreg [dreg:$0x1];
	p0 =	sne.s32 s2, $0x0  }
0xd3: {  	s3 =	rddreg [dreg:$0x2];
	[bflag:$0x3] =	sbarrier.arrive $0xFFFF;
	s2 =	simm.s32 @!p0 $0x1C09  }
0xd4: {  	[timem:s3], [sflag:s2] =	dma.local @!p0 [hbm:s0], s1  }
0xd5: {  	s0 =	simm.s32 @!p0 $0x9  }
0xd6: {  	_ =	swait.ge @!p0 [sflag:s0], s1  }
0xd7: {  	s1 =	ssub.s32 @!p0 $0x0, s1;
	[sflag:s0] =	ssyncset.done @!p0 $0x0  }
0xd8: {  	[sflag:s0] =	ssyncadd.s32 @!p0 s1  }
0xd9: {  	[bflag:$0x3] =	sbarrier.arrive $0xFFFF  }
0xda: {  	_ =	shalt  }

</sc_bundles>
